<compile_context>
chip_gen: v7x
topology: tpu7x:2x2x1
jax: 0.10.2.dev20260603
libtpu: 0.0.44.dev20260713+nightly
codegen_flags: <defaults>
</compile_context>

<pallas_src>
import functools

import jax
import jax.numpy as jnp
from jax.experimental import pallas as pl
from jax.experimental.pallas import tpu as pltpu
from jax.experimental.pallas import tpu_sc as plsc

_NC = 2
_NS = 16
_NW = _NC * _NS

_TL = 2048
_EPS = 0.01
_MASKVAL = 1e30


def _vq_tile_kernel(mask_ref, v_ref, c_ref, v2_ref, c2_ref,
                    z_ref, e_ref, part_ref):
    v = v_ref[0, 0]
    cb = c_ref[0]
    mask = mask_ref[0, 0, 0]
    v2 = v2_ref[0]
    c2 = c2_ref[0]
    tl, d = v.shape
    s = cb.shape[0]
    ones_d = jnp.ones((1, d), jnp.float32)

    cbm2 = cb * (-2.0)
    scoresT = jax.lax.dot_general(
        cbm2, v, dimension_numbers=(((1,), (1,)), ((), ())),
        preferred_element_type=jnp.float32)
    CH = 8
    NJ = 4
    accs = []
    for j in range(NJ):
        d0 = (v2 + scoresT[j * CH:(j + 1) * CH, :]) + c2[j * CH:(j + 1) * CH, :]
        accs.append([d0, jnp.full((CH, tl), j, jnp.int32)])
    for k in range(NJ, s // CH):
        j = k % NJ
        dk = (v2 + scoresT[k * CH:(k + 1) * CH, :]) + c2[k * CH:(k + 1) * CH, :]
        cond = dk < accs[j][0]
        accs[j][0] = jnp.where(cond, dk, accs[j][0])
        accs[j][1] = jnp.where(cond, k, accs[j][1])
    r8 = jax.lax.broadcasted_iota(jnp.int32, (CH, tl), 0)
    vs = jnp.concatenate([a[0] for a in accs], axis=0)
    ss = jnp.concatenate([a[1] * CH + r8 for a in accs], axis=0)
    n = NJ * CH
    while n > 1:
        h = n // 2
        va, vb = vs[:h], vs[h:n]
        sa, sb = ss[:h], ss[h:n]
        take_b = (vb < va) | ((vb == va) & (sb < sa))
        vs = jnp.where(take_b, vb, va)
        ss = jnp.where(take_b, sb, sa)
        n = h
    m = vs[0]
    z = ss[0].astype(jnp.int32)
    errs2 = jnp.maximum(m, 0.0)

    z_ref[0, 0] = z
    e_ref[0, 0] = errs2

    vec_n = jnp.maximum(jnp.sqrt(v2[0]), _EPS)
    rel = jnp.clip(jnp.sqrt(errs2) / vec_n, 0.0, 10.0)

    lane = jax.lax.broadcasted_iota(jnp.int32, (1, 128), 1)
    row = (jnp.where(lane == 0, jnp.sum(mask * errs2), 0.0)
           + jnp.where(lane == 1, jnp.sum(vec_n), 0.0)
           + jnp.where(lane == 3, jnp.sum(rel), 0.0)
           + jnp.where(lane == 4, jnp.min(rel), 0.0)
           + jnp.where(lane == 5, jnp.max(rel), 0.0))
    part_ref[0] = row


def _sc_gather_rows(table, idx):
    n = idx.shape[0]
    d = table.shape[1]
    b_per_w = n // _NW
    chunk = 512
    mesh = plsc.VectorSubcoreMesh(core_axis_name="c", subcore_axis_name="s")

    @functools.partial(
        pl.kernel, mesh=mesh,
        out_type=jax.ShapeDtypeStruct((n, d), jnp.float32),
        scratch_types=[
            pltpu.VMEM((chunk,), jnp.int32),
            pltpu.VMEM((chunk, d), jnp.float32),
            pltpu.SemaphoreType.DMA,
        ],
        compiler_params=pltpu.CompilerParams(use_tc_tiling_on_sc=False),
    )
    def k(table_hbm, idx_hbm, out_hbm, idx_v, rows_v, sem):
        wid = jax.lax.axis_index("s") * _NC + jax.lax.axis_index("c")
        base = wid * b_per_w
        for i in range(b_per_w // chunk):
            off = base + i * chunk
            pltpu.sync_copy(idx_hbm.at[pl.ds(off, chunk)], idx_v)
            pltpu.async_copy(table_hbm.at[idx_v], rows_v, sem).wait()
            pltpu.sync_copy(rows_v, out_hbm.at[pl.ds(off, chunk)])

    return k(table, idx)


def _cb_metrics_kernel(c_ref, cnt_ref, out_ref):
    cb = c_ref[0]
    cnt = cnt_ref[0, 0]
    s = cb.shape[0]

    n2 = jnp.sum(cb * cb, axis=1)
    cnorm = jnp.maximum(jnp.sqrt(n2), _EPS)
    cn = cb / cnorm[:, None]
    sims = jax.lax.dot_general(
        cn, cn, dimension_numbers=(((1,), (1,)), ((), ())),
        preferred_element_type=jnp.float32)
    gram = jax.lax.dot_general(
        cb, cb, dimension_numbers=(((1,), (1,)), ((), ())),
        preferred_element_type=jnp.float32)
    dist2 = n2[:, None] + n2[None, :] - 2.0 * gram
    dists = jnp.sqrt(jnp.maximum(dist2, 0.0))

    ri = jax.lax.broadcasted_iota(jnp.int32, (s, s), 0)
    ci = jax.lax.broadcasted_iota(jnp.int32, (s, s), 1)
    lowf = (ri > ci).astype(jnp.float32)
    upf = (ci >= ri).astype(jnp.float32)
    n_low = float(s * (s - 1) // 2)

    tot = jnp.sum(cnt)
    p = cnt / tot
    ent = jnp.sum(-p * jnp.log(p))
    oob = jnp.sum(jnp.logical_or(cnt < 1.0, cnt > 1000000.0).astype(jnp.float32))

    lane = jax.lax.broadcasted_iota(jnp.int32, (1, 128), 1)
    row = (jnp.where(lane == 0, jnp.max(lowf * dists - _MASKVAL * upf), 0.0)
           + jnp.where(lane == 1, jnp.sum(lowf * dists) / n_low, 0.0)
           + jnp.where(lane == 2, jnp.min(lowf * dists + _MASKVAL * upf), 0.0)
           + jnp.where(lane == 3, ent, 0.0)
           + jnp.where(lane == 4, jnp.max(cnorm), 0.0)
           + jnp.where(lane == 5, jnp.sum(cnorm) / float(s), 0.0)
           + jnp.where(lane == 6, jnp.min(cnorm), 0.0)
           + jnp.where(lane == 7, jnp.max(lowf * sims - _MASKVAL * upf), 0.0)
           + jnp.where(lane == 8, jnp.sum(lowf * sims) / n_low, 0.0)
           + jnp.where(lane == 9, jnp.min(lowf * sims + _MASKVAL * upf), 0.0)
           + jnp.where(lane == 10, oob, 0.0)
           + jnp.where(lane == 11, jnp.max(cnt), 0.0)
           + jnp.where(lane == 12, jnp.sum(cnt) / float(s), 0.0)
           + jnp.where(lane == 13, jnp.min(cnt), 0.0))
    out_ref[0] = row


def kernel(vecs, loss_mask, c_sum, c_count, n_device, n_block_per_update):
    B, H, L, D = vecs.shape
    _, S, _ = c_sum.shape
    TL = _TL
    LT = L // TL
    BHT = B * H * LT

    cnt = jnp.maximum(c_count, _EPS)
    c = c_sum / cnt[..., None]
    mask4 = loss_mask.reshape(B, LT, 1, TL)
    v2_all = jnp.sum(jnp.square(vecs), axis=-1).reshape(BHT, 1, TL)
    c2_all = jnp.sum(jnp.square(c), axis=-1).reshape(H, S, 1)

    z_out, e_out, part = pl.pallas_call(
        _vq_tile_kernel,
        grid=(B, H, LT),
        in_specs=[
            pl.BlockSpec((1, 1, 1, TL), lambda b, h, t: (b, t, 0, 0)),
            pl.BlockSpec((1, 1, TL, D), lambda b, h, t: (b, h, t, 0)),
            pl.BlockSpec((1, S, D), lambda b, h, t: (h, 0, 0)),
            pl.BlockSpec((1, 1, TL), lambda b, h, t: ((b * H + h) * (L // _TL) + t, 0, 0)),
            pl.BlockSpec((1, S, 1), lambda b, h, t: (h, 0, 0)),
        ],
        out_specs=[
            pl.BlockSpec((1, 1, TL), lambda b, h, t: ((b * H + h) * (L // _TL) + t, 0, 0)),
            pl.BlockSpec((1, 1, TL), lambda b, h, t: ((b * H + h) * (L // _TL) + t, 0, 0)),
            pl.BlockSpec((1, 1, 128), lambda b, h, t: ((b * H + h) * (L // _TL) + t, 0, 0)),
        ],
        out_shape=[
            jax.ShapeDtypeStruct((BHT, 1, TL), jnp.int32),
            jax.ShapeDtypeStruct((BHT, 1, TL), jnp.float32),
            jax.ShapeDtypeStruct((BHT, 1, 128), jnp.float32),
        ],
        compiler_params=pltpu.CompilerParams(
            dimension_semantics=("parallel", "parallel", "parallel")),
    )(mask4, vecs, c, v2_all, c2_all)

    mrow = pl.pallas_call(
        _cb_metrics_kernel,
        grid=(H,),
        in_specs=[
            pl.BlockSpec((1, S, D), lambda h: (h, 0, 0)),
            pl.BlockSpec((1, 1, S), lambda h: (h, 0, 0)),
        ],
        out_specs=pl.BlockSpec((1, 1, 128), lambda h: (h, 0, 0)),
        out_shape=jax.ShapeDtypeStruct((H, 1, 128), jnp.float32),
    )(c, cnt.reshape(H, 1, S))

    z = z_out.reshape(B, H, L)
    errs2 = e_out.reshape(B, H, L)

    flat_idx = (z + (jnp.arange(H, dtype=jnp.int32) * S)[None, :, None]
                ).reshape(B * H * L)
    vecs_hat = _sc_gather_rows(c.reshape(H * S, D), flat_idx).reshape(B, H, L, D)
    vec_hat_norm_mean = jnp.mean(jnp.maximum(
        jnp.sqrt(jnp.sum(jnp.square(vecs_hat), axis=-1)), _EPS))

    part = part.reshape(B, H, LT, 128)
    n_vec = float(B * H * L)
    l_commit = jnp.sum(part[..., 0]) / float(B * L)
    vec_norm_mean = jnp.sum(part[..., 1]) / n_vec
    relative_err_mean = jnp.sum(part[..., 3]) / n_vec
    relative_err_min = jnp.mean(jnp.min(part[..., 4], axis=2))
    relative_err_max = jnp.mean(jnp.max(part[..., 5], axis=2))

    cbm = jnp.mean(mrow[:, 0, :14], axis=0)

    metrics = jnp.stack([
        cbm[0], cbm[1], cbm[2],
        cbm[3],
        cbm[4], cbm[5], cbm[6],
        cbm[7], cbm[8], cbm[9],
        cbm[10],
        cbm[11], cbm[12], cbm[13],
        relative_err_max, relative_err_mean, relative_err_min,
        vec_hat_norm_mean, vec_norm_mean,
    ])

    l_codebook = jnp.zeros((), jnp.float32)
    return (vecs_hat, z, l_commit, l_codebook, errs2, metrics)

# --- scband reference (transcript-rebuilt; emitter-appended) ---
"""Pipeline reference for scband-learnable-vq-13271448944640 (READ-ONLY COPY).

The authoritative reference and input builder live on the scoring server;
editing this copy changes nothing except your own understanding.
"""

import jax, jax.numpy as jnp
import jax.scipy as jsp
import numpy as np

sg = jax.lax.stop_gradient

def st(x):
    return x - sg(x)

B, H, L, D, S = 4, 8, 2048, 32, 512
C_GAMMA = 0.99

def setup_inputs(seed: int = 0):
    key = jax.random.key(seed)
    k1, k2 = jax.random.split(key)
    vecs = jax.random.normal(k1, (B, H, L, D), dtype=jnp.float32)
    loss_mask = jnp.ones((B, L), dtype=jnp.float32)
    c_sum = 0.02 * jax.random.normal(k2, (H, S, D), dtype=jnp.float32)
    c_count = jnp.ones((H, S), dtype=jnp.float32)
    n_device = jnp.ones((1,), dtype=jnp.int32)
    n_block_per_update = jnp.ones((1,), dtype=jnp.int32)
    return dict(vecs=vecs, loss_mask=loss_mask, c_sum=c_sum, c_count=c_count,
                n_device=n_device, n_block_per_update=n_block_per_update)

def _get_codebook(c_sum, c_count):
    c = c_sum / jnp.maximum(c_count[..., None], 0.01)
    return sg(c)

def get_shortcodes(vecs, codebook):
    diffs2 = (jnp.expand_dims(jnp.sum(jnp.square(vecs), axis=-1), -1)
              - 2.0 * jnp.einsum('bhlk,hsk->bhls', vecs, codebook)
              + jnp.expand_dims(jnp.sum(jnp.square(codebook), axis=-1), (0, 2)))
    z = jnp.argmin(diffs2, axis=-1)
    errs2 = jax.nn.relu(jnp.min(diffs2, axis=-1))
    return z.astype(jnp.int32), errs2

def get_codewords(shortcodes, codebook):
    return jnp.take_along_axis(codebook[None, ...], shortcodes[..., None], axis=2)

def _quant_metrics(vecs, vecs_hat, errs2, c_sum, c_count):
    n_head, n_code = c_count.shape
    eps, errmin, errmax, maskval = 0.01, 0.0, 10.0, 1e30
    c_count = jnp.maximum(c_count, eps)
    c = c_sum / c_count[..., None]
    c_norms = jnp.maximum(jnp.linalg.norm(c, axis=-1), eps)
    c_normed = c / c_norms[..., None]
    c_sims = jnp.einsum('hsd,hzd->hsz', c_normed, c_normed)
    c_dists = jnp.linalg.norm(jnp.expand_dims(c, 2) - jnp.expand_dims(c, 1), axis=-1)
    vec_norms = jnp.maximum(jnp.linalg.norm(vecs, axis=-1), eps)
    vec_hat_norms = jnp.maximum(jnp.linalg.norm(vecs_hat, axis=-1), eps)
    errs = jnp.sqrt(errs2)
    relative_errs = jnp.clip(errs / vec_norms, errmin, errmax)
    probs = c_count / jnp.sum(c_count, axis=-1)[..., None]
    c_thresh_oob = jnp.logical_or(c_count < 1.0, 1000000 < c_count).astype(jnp.float32)
    ones = jnp.ones([1, n_code, n_code], dtype=jnp.float32)
    up = jnp.triu(ones)
    low = jnp.tril(ones, k=-1)
    metrics = dict(
        c_sim_min=jnp.min(low * c_sims + maskval * up, axis=(1, 2)),
        c_sim_mean=jnp.sum(low * c_sims, axis=(1, 2)) / jnp.sum(low, axis=(1, 2)),
        c_sim_max=jnp.max(low * c_sims - maskval * up, axis=(1, 2)),
        c_dist_min=jnp.min(low * c_dists + maskval * up, axis=(1, 2)),
        c_dist_mean=jnp.sum(low * c_dists, axis=(1, 2)) / jnp.sum(low, axis=(1, 2)),
        c_dist_max=jnp.max(low * c_dists - maskval * up, axis=(1, 2)),
        c_norm_min=jnp.min(c_norms, axis=1),
        c_norm_mean=jnp.mean(c_norms, axis=1),
        c_norm_max=jnp.max(c_norms, axis=1),
        c_usage_min=jnp.min(c_count, axis=1),
        c_usage_mean=jnp.mean(c_count, axis=1),
        c_usage_max=jnp.max(c_count, axis=1),
        c_thresh_oob=jnp.sum(c_thresh_oob, axis=1),
        c_entropy=jnp.sum(jsp.special.entr(probs), axis=-1),
        vec_norm_mean=jnp.mean(vec_norms, axis=2),
        vec_hat_norm_mean=jnp.mean(vec_hat_norms, axis=2),
        relative_err_min=jnp.min(relative_errs, axis=2),
        relative_err_mean=jnp.mean(relative_errs, axis=2),
        relative_err_max=jnp.max(relative_errs, axis=2),
    )
    vals = [jnp.mean(sg(metrics[k])).astype(jnp.float32) for k in sorted(metrics)]
    return jnp.stack(vals)

def reference(vecs, loss_mask, c_sum, c_count, n_device, n_block_per_update):
    c = _get_codebook(c_sum, c_count)
    z, errs2 = get_shortcodes(vecs, c)
    cz = get_codewords(z, c)
    vecs_hat = sg(cz) + st(vecs)
    # commitment loss
    l_commit = jnp.mean(jnp.sum(jnp.expand_dims(loss_mask, 1) * errs2, axis=1))
    # codebook (EMA-target) loss
    n_code = c_sum.shape[1]
    r = jax.nn.one_hot(z, num_classes=n_code, dtype=vecs.dtype)
    r = r * jnp.expand_dims(jnp.expand_dims(loss_mask, 1), -1)
    d = n_device.astype(vecs.dtype)
    p = n_block_per_update.astype(vecs.dtype)
    c_sum_hat = d * p * jnp.einsum('bhts,bhtd->hsd', r, vecs)
    c_count_hat = d * p * jnp.sum(r, axis=(0, 2))
    c_sum_tgt = (1.0 - C_GAMMA) * c_sum_hat + C_GAMMA * c_sum
    c_count_tgt = (1.0 - C_GAMMA) * c_count_hat + C_GAMMA * c_count
    l_codebook = (jnp.sum(sg(c_count - c_count_tgt) * st(c_count))
                  + jnp.sum(sg(c_sum - c_sum_tgt) * st(c_sum)))
    metrics = _quant_metrics(sg(vecs), sg(vecs_hat), sg(errs2), sg(c_sum), sg(c_count))
    return (vecs_hat, z, l_commit, l_codebook, errs2, metrics)

if False:  # reference __main__ guard neutralized (emitter)
    out = reference(**setup_inputs())
    print([getattr(o, 'shape', None) for o in out])

if __name__ == "__main__":
    import jax
    _d = setup_inputs()
    print(jax.jit(kernel)(*tuple(_d.values())))

</pallas_src>

<mosaic_0001>
#map = affine_map<(d0, d1) -> (0, 0)>
#map1 = affine_map<(d0, d1) -> (0)>
module attributes {stable_mosaic.version = 14 : i64} {
  func.func @k(%arg0: i32, %arg1: i32, %arg2: memref<4096x32xf32, #tpu.memory_space<hbm>>, %arg3: memref<65536xi32, #tpu.memory_space<hbm>>, %arg4: memref<65536x32xf32, #tpu.memory_space<hbm>>, %arg5: memref<512xi32, #tpu.memory_space<vmem>>, %arg6: memref<512x32xf32, #tpu.memory_space<vmem>>, %arg7: memref<!tpu.dma_semaphore, #tpu.memory_space<semaphore_mem>>) attributes {dimension_semantics = [#tpu.dimension_semantics<core_parallel>, #tpu.dimension_semantics<subcore_parallel>], iteration_bounds = array<i64: 2, 16>, scalar_prefetch = 0 : i64, scratch_operands = 3 : i64, tpu.core_type = #tpu.core_type<sc_vector_subcore>, window_params = [{transform_indices = #map}, {transform_indices = #map1}, {transform_indices = #map}]} {
    %mul3A = arith.constant 2 : i32
    %mul3A_0 = arith.muli %arg1, %mul3A : i32
    %add3A = arith.addi %mul3A_0, %arg0 : i32
    %mul3A_1 = arith.constant 2048 : i32
    %mul3A_2 = arith.muli %add3A, %mul3A_1 : i32
    %add3A_3 = arith.constant 0 : i32
    %add3A_4 = arith.addi %mul3A_2, %add3A_3 : i32
    "tpu.region"() ({
      %run_scoped3A = tpu.sem_alloc : memref<!tpu.dma_semaphore, #tpu.memory_space<semaphore_mem>>
      %dma_start3A_33 = tpu.memref_slice %arg3[%add3A_4] : memref<65536xi32, #tpu.memory_space<hbm>> -> memref<512xi32, #tpu.memory_space<hbm>>
      %dma_start3A_34 = tpu.memref_slice %arg3[%add3A_4] : memref<65536xi32, #tpu.memory_space<hbm>> -> memref<512xi32, #tpu.memory_space<hbm>>
      tpu.enqueue_dma source(%dma_start3A_34 : memref<512xi32, #tpu.memory_space<hbm>>) target(%arg5 : memref<512xi32, #tpu.memory_space<vmem>>) target_semaphore(%run_scoped3A : memref<!tpu.dma_semaphore, #tpu.memory_space<semaphore_mem>>)
      %dma_wait3A_35 = tpu.memref_slice %arg3[%add3A_4] : memref<65536xi32, #tpu.memory_space<hbm>> -> memref<512xi32, #tpu.memory_space<hbm>>
      %dma_wait3A_36 = tpu.memref_slice %arg3[%add3A_4] : memref<65536xi32, #tpu.memory_space<hbm>> -> memref<512xi32, #tpu.memory_space<hbm>>
      tpu.wait_dma2 semaphore(%run_scoped3A : memref<!tpu.dma_semaphore, #tpu.memory_space<semaphore_mem>>) src(%dma_wait3A_36 : memref<512xi32, #tpu.memory_space<hbm>>) dst(%arg5 : memref<512xi32, #tpu.memory_space<vmem>>)
      tpu.yield
    }) : () -> ()
    %dma_start3A = arith.constant 0 : i32
    %dma_start3A_5 = arith.constant 0 : i32
    %dma_start3A_6 = tpu.memref_slice %arg2[%dma_start3A, %dma_start3A_5] : memref<4096x32xf32, #tpu.memory_space<hbm>> -> memref<4096x32xf32, #tpu.memory_space<hbm>>
    tpu.enqueue_indirect_dma source(%dma_start3A_6 : memref<4096x32xf32, #tpu.memory_space<hbm>>) target(%arg6 : memref<512x32xf32, #tpu.memory_space<vmem>>) offsets(%arg5 : memref<512xi32, #tpu.memory_space<vmem>>) semaphore(%arg7 : memref<!tpu.dma_semaphore, #tpu.memory_space<semaphore_mem>>)
    %dma_wait3A = arith.constant 0 : i32
    %dma_wait3A_7 = arith.constant 0 : i32
    %dma_wait3A_8 = tpu.memref_slice %arg2[%dma_wait3A, %dma_wait3A_7] : memref<4096x32xf32, #tpu.memory_space<hbm>> -> memref<4096x32xf32, #tpu.memory_space<hbm>>
    tpu.wait_indirect_dma semaphore(%arg7 : memref<!tpu.dma_semaphore, #tpu.memory_space<semaphore_mem>>) src(%dma_wait3A_8 : memref<4096x32xf32, #tpu.memory_space<hbm>>) dst(%arg6 : memref<512x32xf32, #tpu.memory_space<vmem>>)
    "tpu.region"() ({
      %run_scoped3A = tpu.sem_alloc : memref<!tpu.dma_semaphore, #tpu.memory_space<semaphore_mem>>
      %dma_start3A_33 = arith.constant 0 : i32
      %dma_start3A_34 = tpu.memref_slice %arg4[%add3A_4, %dma_start3A_33] : memref<65536x32xf32, #tpu.memory_space<hbm>> -> memref<512x32xf32, #tpu.memory_space<hbm>>
      %dma_start3A_35 = arith.constant 0 : i32
      %dma_start3A_36 = tpu.memref_slice %arg4[%add3A_4, %dma_start3A_35] : memref<65536x32xf32, #tpu.memory_space<hbm>> -> memref<512x32xf32, #tpu.memory_space<hbm>>
      tpu.enqueue_dma source(%arg6 : memref<512x32xf32, #tpu.memory_space<vmem>>) target(%dma_start3A_36 : memref<512x32xf32, #tpu.memory_space<hbm>>) target_semaphore(%run_scoped3A : memref<!tpu.dma_semaphore, #tpu.memory_space<semaphore_mem>>)
      %dma_wait3A_37 = arith.constant 0 : i32
      %dma_wait3A_38 = tpu.memref_slice %arg4[%add3A_4, %dma_wait3A_37] : memref<65536x32xf32, #tpu.memory_space<hbm>> -> memref<512x32xf32, #tpu.memory_space<hbm>>
      %dma_wait3A_39 = arith.constant 0 : i32
      %dma_wait3A_40 = tpu.memref_slice %arg4[%add3A_4, %dma_wait3A_39] : memref<65536x32xf32, #tpu.memory_space<hbm>> -> memref<512x32xf32, #tpu.memory_space<hbm>>
      tpu.wait_dma2 semaphore(%run_scoped3A : memref<!tpu.dma_semaphore, #tpu.memory_space<semaphore_mem>>) src(%arg6 : memref<512x32xf32, #tpu.memory_space<vmem>>) dst(%dma_wait3A_40 : memref<512x32xf32, #tpu.memory_space<hbm>>)
      tpu.yield
    }) : () -> ()
    %add3A_9 = arith.constant 512 : i32
    %add3A_10 = arith.addi %mul3A_2, %add3A_9 : i32
    "tpu.region"() ({
      %run_scoped3A = tpu.sem_alloc : memref<!tpu.dma_semaphore, #tpu.memory_space<semaphore_mem>>
      %dma_start3A_33 = tpu.memref_slice %arg3[%add3A_10] : memref<65536xi32, #tpu.memory_space<hbm>> -> memref<512xi32, #tpu.memory_space<hbm>>
      %dma_start3A_34 = tpu.memref_slice %arg3[%add3A_10] : memref<65536xi32, #tpu.memory_space<hbm>> -> memref<512xi32, #tpu.memory_space<hbm>>
      tpu.enqueue_dma source(%dma_start3A_34 : memref<512xi32, #tpu.memory_space<hbm>>) target(%arg5 : memref<512xi32, #tpu.memory_space<vmem>>) target_semaphore(%run_scoped3A : memref<!tpu.dma_semaphore, #tpu.memory_space<semaphore_mem>>)
      %dma_wait3A_35 = tpu.memref_slice %arg3[%add3A_10] : memref<65536xi32, #tpu.memory_space<hbm>> -> memref<512xi32, #tpu.memory_space<hbm>>
      %dma_wait3A_36 = tpu.memref_slice %arg3[%add3A_10] : memref<65536xi32, #tpu.memory_space<hbm>> -> memref<512xi32, #tpu.memory_space<hbm>>
      tpu.wait_dma2 semaphore(%run_scoped3A : memref<!tpu.dma_semaphore, #tpu.memory_space<semaphore_mem>>) src(%dma_wait3A_36 : memref<512xi32, #tpu.memory_space<hbm>>) dst(%arg5 : memref<512xi32, #tpu.memory_space<vmem>>)
      tpu.yield
    }) : () -> ()
    %dma_start3A_11 = arith.constant 0 : i32
    %dma_start3A_12 = arith.constant 0 : i32
    %dma_start3A_13 = tpu.memref_slice %arg2[%dma_start3A_11, %dma_start3A_12] : memref<4096x32xf32, #tpu.memory_space<hbm>> -> memref<4096x32xf32, #tpu.memory_space<hbm>>
    tpu.enqueue_indirect_dma source(%dma_start3A_13 : memref<4096x32xf32, #tpu.memory_space<hbm>>) target(%arg6 : memref<512x32xf32, #tpu.memory_space<vmem>>) offsets(%arg5 : memref<512xi32, #tpu.memory_space<vmem>>) semaphore(%arg7 : memref<!tpu.dma_semaphore, #tpu.memory_space<semaphore_mem>>)
    %dma_wait3A_14 = arith.constant 0 : i32
    %dma_wait3A_15 = arith.constant 0 : i32
    %dma_wait3A_16 = tpu.memref_slice %arg2[%dma_wait3A_14, %dma_wait3A_15] : memref<4096x32xf32, #tpu.memory_space<hbm>> -> memref<4096x32xf32, #tpu.memory_space<hbm>>
    tpu.wait_indirect_dma semaphore(%arg7 : memref<!tpu.dma_semaphore, #tpu.memory_space<semaphore_mem>>) src(%dma_wait3A_16 : memref<4096x32xf32, #tpu.memory_space<hbm>>) dst(%arg6 : memref<512x32xf32, #tpu.memory_space<vmem>>)
    "tpu.region"() ({
      %run_scoped3A = tpu.sem_alloc : memref<!tpu.dma_semaphore, #tpu.memory_space<semaphore_mem>>
      %dma_start3A_33 = arith.constant 0 : i32
      %dma_start3A_34 = tpu.memref_slice %arg4[%add3A_10, %dma_start3A_33] : memref<65536x32xf32, #tpu.memory_space<hbm>> -> memref<512x32xf32, #tpu.memory_space<hbm>>
      %dma_start3A_35 = arith.constant 0 : i32
      %dma_start3A_36 = tpu.memref_slice %arg4[%add3A_10, %dma_start3A_35] : memref<65536x32xf32, #tpu.memory_space<hbm>> -> memref<512x32xf32, #tpu.memory_space<hbm>>
      tpu.enqueue_dma source(%arg6 : memref<512x32xf32, #tpu.memory_space<vmem>>) target(%dma_start3A_36 : memref<512x32xf32, #tpu.memory_space<hbm>>) target_semaphore(%run_scoped3A : memref<!tpu.dma_semaphore, #tpu.memory_space<semaphore_mem>>)
      %dma_wait3A_37 = arith.constant 0 : i32
      %dma_wait3A_38 = tpu.memref_slice %arg4[%add3A_10, %dma_wait3A_37] : memref<65536x32xf32, #tpu.memory_space<hbm>> -> memref<512x32xf32, #tpu.memory_space<hbm>>
      %dma_wait3A_39 = arith.constant 0 : i32
      %dma_wait3A_40 = tpu.memref_slice %arg4[%add3A_10, %dma_wait3A_39] : memref<65536x32xf32, #tpu.memory_space<hbm>> -> memref<512x32xf32, #tpu.memory_space<hbm>>
      tpu.wait_dma2 semaphore(%run_scoped3A : memref<!tpu.dma_semaphore, #tpu.memory_space<semaphore_mem>>) src(%arg6 : memref<512x32xf32, #tpu.memory_space<vmem>>) dst(%dma_wait3A_40 : memref<512x32xf32, #tpu.memory_space<hbm>>)
      tpu.yield
    }) : () -> ()
    %add3A_17 = arith.constant 1024 : i32
    %add3A_18 = arith.addi %mul3A_2, %add3A_17 : i32
    "tpu.region"() ({
      %run_scoped3A = tpu.sem_alloc : memref<!tpu.dma_semaphore, #tpu.memory_space<semaphore_mem>>
      %dma_start3A_33 = tpu.memref_slice %arg3[%add3A_18] : memref<65536xi32, #tpu.memory_space<hbm>> -> memref<512xi32, #tpu.memory_space<hbm>>
      %dma_start3A_34 = tpu.memref_slice %arg3[%add3A_18] : memref<65536xi32, #tpu.memory_space<hbm>> -> memref<512xi32, #tpu.memory_space<hbm>>
      tpu.enqueue_dma source(%dma_start3A_34 : memref<512xi32, #tpu.memory_space<hbm>>) target(%arg5 : memref<512xi32, #tpu.memory_space<vmem>>) target_semaphore(%run_scoped3A : memref<!tpu.dma_semaphore, #tpu.memory_space<semaphore_mem>>)
      %dma_wait3A_35 = tpu.memref_slice %arg3[%add3A_18] : memref<65536xi32, #tpu.memory_space<hbm>> -> memref<512xi32, #tpu.memory_space<hbm>>
      %dma_wait3A_36 = tpu.memref_slice %arg3[%add3A_18] : memref<65536xi32, #tpu.memory_space<hbm>> -> memref<512xi32, #tpu.memory_space<hbm>>
      tpu.wait_dma2 semaphore(%run_scoped3A : memref<!tpu.dma_semaphore, #tpu.memory_space<semaphore_mem>>) src(%dma_wait3A_36 : memref<512xi32, #tpu.memory_space<hbm>>) dst(%arg5 : memref<512xi32, #tpu.memory_space<vmem>>)
      tpu.yield
    }) : () -> ()
    %dma_start3A_19 = arith.constant 0 : i32
    %dma_start3A_20 = arith.constant 0 : i32
    %dma_start3A_21 = tpu.memref_slice %arg2[%dma_start3A_19, %dma_start3A_20] : memref<4096x32xf32, #tpu.memory_space<hbm>> -> memref<4096x32xf32, #tpu.memory_space<hbm>>
    tpu.enqueue_indirect_dma source(%dma_start3A_21 : memref<4096x32xf32, #tpu.memory_space<hbm>>) target(%arg6 : memref<512x32xf32, #tpu.memory_space<vmem>>) offsets(%arg5 : memref<512xi32, #tpu.memory_space<vmem>>) semaphore(%arg7 : memref<!tpu.dma_semaphore, #tpu.memory_space<semaphore_mem>>)
    %dma_wait3A_22 = arith.constant 0 : i32
    %dma_wait3A_23 = arith.constant 0 : i32
    %dma_wait3A_24 = tpu.memref_slice %arg2[%dma_wait3A_22, %dma_wait3A_23] : memref<4096x32xf32, #tpu.memory_space<hbm>> -> memref<4096x32xf32, #tpu.memory_space<hbm>>
    tpu.wait_indirect_dma semaphore(%arg7 : memref<!tpu.dma_semaphore, #tpu.memory_space<semaphore_mem>>) src(%dma_wait3A_24 : memref<4096x32xf32, #tpu.memory_space<hbm>>) dst(%arg6 : memref<512x32xf32, #tpu.memory_space<vmem>>)
    "tpu.region"() ({
      %run_scoped3A = tpu.sem_alloc : memref<!tpu.dma_semaphore, #tpu.memory_space<semaphore_mem>>
      %dma_start3A_33 = arith.constant 0 : i32
      %dma_start3A_34 = tpu.memref_slice %arg4[%add3A_18, %dma_start3A_33] : memref<65536x32xf32, #tpu.memory_space<hbm>> -> memref<512x32xf32, #tpu.memory_space<hbm>>
      %dma_start3A_35 = arith.constant 0 : i32
      %dma_start3A_36 = tpu.memref_slice %arg4[%add3A_18, %dma_start3A_35] : memref<65536x32xf32, #tpu.memory_space<hbm>> -> memref<512x32xf32, #tpu.memory_space<hbm>>
      tpu.enqueue_dma source(%arg6 : memref<512x32xf32, #tpu.memory_space<vmem>>) target(%dma_start3A_36 : memref<512x32xf32, #tpu.memory_space<hbm>>) target_semaphore(%run_scoped3A : memref<!tpu.dma_semaphore, #tpu.memory_space<semaphore_mem>>)
      %dma_wait3A_37 = arith.constant 0 : i32
      %dma_wait3A_38 = tpu.memref_slice %arg4[%add3A_18, %dma_wait3A_37] : memref<65536x32xf32, #tpu.memory_space<hbm>> -> memref<512x32xf32, #tpu.memory_space<hbm>>
      %dma_wait3A_39 = arith.constant 0 : i32
      %dma_wait3A_40 = tpu.memref_slice %arg4[%add3A_18, %dma_wait3A_39] : memref<65536x32xf32, #tpu.memory_space<hbm>> -> memref<512x32xf32, #tpu.memory_space<hbm>>
      tpu.wait_dma2 semaphore(%run_scoped3A : memref<!tpu.dma_semaphore, #tpu.memory_space<semaphore_mem>>) src(%arg6 : memref<512x32xf32, #tpu.memory_space<vmem>>) dst(%dma_wait3A_40 : memref<512x32xf32, #tpu.memory_space<hbm>>)
      tpu.yield
    }) : () -> ()
    %add3A_25 = arith.constant 1536 : i32
    %add3A_26 = arith.addi %mul3A_2, %add3A_25 : i32
    "tpu.region"() ({
      %run_scoped3A = tpu.sem_alloc : memref<!tpu.dma_semaphore, #tpu.memory_space<semaphore_mem>>
      %dma_start3A_33 = tpu.memref_slice %arg3[%add3A_26] : memref<65536xi32, #tpu.memory_space<hbm>> -> memref<512xi32, #tpu.memory_space<hbm>>
      %dma_start3A_34 = tpu.memref_slice %arg3[%add3A_26] : memref<65536xi32, #tpu.memory_space<hbm>> -> memref<512xi32, #tpu.memory_space<hbm>>
      tpu.enqueue_dma source(%dma_start3A_34 : memref<512xi32, #tpu.memory_space<hbm>>) target(%arg5 : memref<512xi32, #tpu.memory_space<vmem>>) target_semaphore(%run_scoped3A : memref<!tpu.dma_semaphore, #tpu.memory_space<semaphore_mem>>)
      %dma_wait3A_35 = tpu.memref_slice %arg3[%add3A_26] : memref<65536xi32, #tpu.memory_space<hbm>> -> memref<512xi32, #tpu.memory_space<hbm>>
      %dma_wait3A_36 = tpu.memref_slice %arg3[%add3A_26] : memref<65536xi32, #tpu.memory_space<hbm>> -> memref<512xi32, #tpu.memory_space<hbm>>
      tpu.wait_dma2 semaphore(%run_scoped3A : memref<!tpu.dma_semaphore, #tpu.memory_space<semaphore_mem>>) src(%dma_wait3A_36 : memref<512xi32, #tpu.memory_space<hbm>>) dst(%arg5 : memref<512xi32, #tpu.memory_space<vmem>>)
      tpu.yield
    }) : () -> ()
    %dma_start3A_27 = arith.constant 0 : i32
    %dma_start3A_28 = arith.constant 0 : i32
    %dma_start3A_29 = tpu.memref_slice %arg2[%dma_start3A_27, %dma_start3A_28] : memref<4096x32xf32, #tpu.memory_space<hbm>> -> memref<4096x32xf32, #tpu.memory_space<hbm>>
    tpu.enqueue_indirect_dma source(%dma_start3A_29 : memref<4096x32xf32, #tpu.memory_space<hbm>>) target(%arg6 : memref<512x32xf32, #tpu.memory_space<vmem>>) offsets(%arg5 : memref<512xi32, #tpu.memory_space<vmem>>) semaphore(%arg7 : memref<!tpu.dma_semaphore, #tpu.memory_space<semaphore_mem>>)
    %dma_wait3A_30 = arith.constant 0 : i32
    %dma_wait3A_31 = arith.constant 0 : i32
    %dma_wait3A_32 = tpu.memref_slice %arg2[%dma_wait3A_30, %dma_wait3A_31] : memref<4096x32xf32, #tpu.memory_space<hbm>> -> memref<4096x32xf32, #tpu.memory_space<hbm>>
    tpu.wait_indirect_dma semaphore(%arg7 : memref<!tpu.dma_semaphore, #tpu.memory_space<semaphore_mem>>) src(%dma_wait3A_32 : memref<4096x32xf32, #tpu.memory_space<hbm>>) dst(%arg6 : memref<512x32xf32, #tpu.memory_space<vmem>>)
    "tpu.region"() ({
      %run_scoped3A = tpu.sem_alloc : memref<!tpu.dma_semaphore, #tpu.memory_space<semaphore_mem>>
      %dma_start3A_33 = arith.constant 0 : i32
      %dma_start3A_34 = tpu.memref_slice %arg4[%add3A_26, %dma_start3A_33] : memref<65536x32xf32, #tpu.memory_space<hbm>> -> memref<512x32xf32, #tpu.memory_space<hbm>>
      %dma_start3A_35 = arith.constant 0 : i32
      %dma_start3A_36 = tpu.memref_slice %arg4[%add3A_26, %dma_start3A_35] : memref<65536x32xf32, #tpu.memory_space<hbm>> -> memref<512x32xf32, #tpu.memory_space<hbm>>
      tpu.enqueue_dma source(%arg6 : memref<512x32xf32, #tpu.memory_space<vmem>>) target(%dma_start3A_36 : memref<512x32xf32, #tpu.memory_space<hbm>>) target_semaphore(%run_scoped3A : memref<!tpu.dma_semaphore, #tpu.memory_space<semaphore_mem>>)
      %dma_wait3A_37 = arith.constant 0 : i32
      %dma_wait3A_38 = tpu.memref_slice %arg4[%add3A_26, %dma_wait3A_37] : memref<65536x32xf32, #tpu.memory_space<hbm>> -> memref<512x32xf32, #tpu.memory_space<hbm>>
      %dma_wait3A_39 = arith.constant 0 : i32
      %dma_wait3A_40 = tpu.memref_slice %arg4[%add3A_26, %dma_wait3A_39] : memref<65536x32xf32, #tpu.memory_space<hbm>> -> memref<512x32xf32, #tpu.memory_space<hbm>>
      tpu.wait_dma2 semaphore(%run_scoped3A : memref<!tpu.dma_semaphore, #tpu.memory_space<semaphore_mem>>) src(%arg6 : memref<512x32xf32, #tpu.memory_space<vmem>>) dst(%dma_wait3A_40 : memref<512x32xf32, #tpu.memory_space<hbm>>)
      tpu.yield
    }) : () -> ()
    return
  }
}

module attributes {stable_mosaic.version = 14 : i64} {
  func.func @_vq_tile_kernel(%arg0: i32, %arg1: i32, %arg2: i32, %arg3: memref<1x1x1x2048xf32, #tpu.memory_space<vmem>>, %arg4: memref<1x1x2048x32xf32, #tpu.memory_space<vmem>>, %arg5: memref<1x512x32xf32, #tpu.memory_space<vmem>>, %arg6: memref<1x1x2048xf32, #tpu.memory_space<vmem>>, %arg7: memref<1x512x1xf32, #tpu.memory_space<vmem>>, %arg8: memref<1x1x2048xi32, #tpu.memory_space<vmem>>, %arg9: memref<1x1x2048xf32, #tpu.memory_space<vmem>>, %arg10: memref<1x1x128xf32, #tpu.memory_space<vmem>>) attributes {dimension_semantics = [#tpu.dimension_semantics<parallel>, #tpu.dimension_semantics<parallel>, #tpu.dimension_semantics<parallel>], iteration_bounds = array<i64: 4, 8, 1>, scalar_prefetch = 0 : i64, scratch_operands = 0 : i64, tpu.core_type = #tpu.core_type<tc>, window_params = [{transform_indices = @transform_0, window_bounds = array<i64: 1, 1, 1, 2048>}, {transform_indices = @transform_1, window_bounds = array<i64: 1, 1, 2048, 32>}, {transform_indices = @transform_2, window_bounds = array<i64: 1, 512, 32>}, {transform_indices = @transform_3, window_bounds = array<i64: 1, 1, 2048>}, {transform_indices = @transform_4, window_bounds = array<i64: 1, 512, 1>}, {transform_indices = @transform_5, window_bounds = array<i64: 1, 1, 2048>}, {transform_indices = @transform_6, window_bounds = array<i64: 1, 1, 2048>}, {transform_indices = @transform_7, window_bounds = array<i64: 1, 1, 128>}]} {
    %get3A = arith.constant 0 : index
    %get3A_0 = arith.constant 0 : index
    %get3A_1 = arith.constant 0 : index
    %get3A_2 = arith.constant 0 : index
    %get3A_3 = vector.load %arg4[%get3A, %get3A_0, %get3A_1, %get3A_2] : memref<1x1x2048x32xf32, #tpu.memory_space<vmem>>, vector<1x1x2048x32xf32>
    %get3A_4 = vector.shape_cast %get3A_3 : vector<1x1x2048x32xf32> to vector<2048x32xf32>
    %get3A_5 = arith.constant 0 : index
    %get3A_6 = arith.constant 0 : index
    %get3A_7 = arith.constant 0 : index
    %get3A_8 = vector.load %arg5[%get3A_5, %get3A_6, %get3A_7] : memref<1x512x32xf32, #tpu.memory_space<vmem>>, vector<1x512x32xf32>
    %get3A_9 = vector.shape_cast %get3A_8 : vector<1x512x32xf32> to vector<512x32xf32>
    %get3A_10 = arith.constant 0 : index
    %get3A_11 = arith.constant 0 : index
    %get3A_12 = arith.constant 0 : index
    %get3A_13 = arith.constant 0 : index
    %get3A_14 = vector.load %arg3[%get3A_10, %get3A_11, %get3A_12, %get3A_13] : memref<1x1x1x2048xf32, #tpu.memory_space<vmem>>, vector<1x1x1x2048xf32>
    %get3A_15 = vector.shape_cast %get3A_14 : vector<1x1x1x2048xf32> to vector<2048xf32>
    %get3A_16 = arith.constant 0 : index
    %get3A_17 = arith.constant 0 : index
    %get3A_18 = arith.constant 0 : index
    %get3A_19 = vector.load %arg6[%get3A_16, %get3A_17, %get3A_18] : memref<1x1x2048xf32, #tpu.memory_space<vmem>>, vector<1x1x2048xf32>
    %get3A_20 = vector.shape_cast %get3A_19 : vector<1x1x2048xf32> to vector<1x2048xf32>
    %get3A_21 = arith.constant 0 : index
    %get3A_22 = arith.constant 0 : index
    %get3A_23 = arith.constant 0 : index
    %get3A_24 = vector.load %arg7[%get3A_21, %get3A_22, %get3A_23] : memref<1x512x1xf32, #tpu.memory_space<vmem>>, vector<1x512x1xf32>
    %get3A_25 = vector.shape_cast %get3A_24 : vector<1x512x1xf32> to vector<512x1xf32>
    %mul3A = arith.constant -2.000000e+00 : f32
    %mul3A_26 = vector.broadcast %mul3A : f32 to vector<512x32xf32>
    %mul3A_27 = arith.mulf %get3A_9, %mul3A_26 : vector<512x32xf32>
    %dot_general3A = arith.constant dense<0.000000e+00> : vector<512x2048xf32>
    %dot_general3A_28 = tpu.matmul %mul3A_27, %get3A_4, %dot_general3A {dimension_numbers = #tpu.dot_dimension_numbers<[1], [1], [0], [0], [0, 0, 1, 0], [], []>, transpose_lhs_hint = false} : vector<512x32xf32>, vector<2048x32xf32>, vector<512x2048xf32> -> vector<512x2048xf32>
    %slice3A = vector.extract_strided_slice %dot_general3A_28 {offsets = [0, 0], sizes = [8, 2048], strides = [1, 1]} : vector<512x2048xf32> to vector<8x2048xf32>
    %add3A = vector.broadcast %get3A_20 : vector<1x2048xf32> to vector<8x2048xf32>
    %add3A_29 = arith.addf %add3A, %slice3A : vector<8x2048xf32>
    %slice3A_30 = vector.extract_strided_slice %get3A_25 {offsets = [0, 0], sizes = [8, 1], strides = [1, 1]} : vector<512x1xf32> to vector<8x1xf32>
    %add3A_31 = vector.broadcast %slice3A_30 : vector<8x1xf32> to vector<8x2048xf32>
    %add3A_32 = arith.addf %add3A_29, %add3A_31 : vector<8x2048xf32>
    %broadcast_in_dim3A = arith.constant 0 : i32
    %broadcast_in_dim3A_33 = vector.broadcast %broadcast_in_dim3A : i32 to vector<8x2048xi32>
    %slice3A_34 = vector.extract_strided_slice %dot_general3A_28 {offsets = [8, 0], sizes = [8, 2048], strides = [1, 1]} : vector<512x2048xf32> to vector<8x2048xf32>
    %add3A_35 = vector.broadcast %get3A_20 : vector<1x2048xf32> to vector<8x2048xf32>
    %add3A_36 = arith.addf %add3A_35, %slice3A_34 : vector<8x2048xf32>
    %slice3A_37 = vector.extract_strided_slice %get3A_25 {offsets = [8, 0], sizes = [8, 1], strides = [1, 1]} : vector<512x1xf32> to vector<8x1xf32>
    %add3A_38 = vector.broadcast %slice3A_37 : vector<8x1xf32> to vector<8x2048xf32>
    %add3A_39 = arith.addf %add3A_36, %add3A_38 : vector<8x2048xf32>
    %broadcast_in_dim3A_40 = arith.constant 1 : i32
    %broadcast_in_dim3A_41 = vector.broadcast %broadcast_in_dim3A_40 : i32 to vector<8x2048xi32>
    %slice3A_42 = vector.extract_strided_slice %dot_general3A_28 {offsets = [16, 0], sizes = [8, 2048], strides = [1, 1]} : vector<512x2048xf32> to vector<8x2048xf32>
    %add3A_43 = vector.broadcast %get3A_20 : vector<1x2048xf32> to vector<8x2048xf32>
    %add3A_44 = arith.addf %add3A_43, %slice3A_42 : vector<8x2048xf32>
    %slice3A_45 = vector.extract_strided_slice %get3A_25 {offsets = [16, 0], sizes = [8, 1], strides = [1, 1]} : vector<512x1xf32> to vector<8x1xf32>
    %add3A_46 = vector.broadcast %slice3A_45 : vector<8x1xf32> to vector<8x2048xf32>
    %add3A_47 = arith.addf %add3A_44, %add3A_46 : vector<8x2048xf32>
    %broadcast_in_dim3A_48 = arith.constant 2 : i32
    %broadcast_in_dim3A_49 = vector.broadcast %broadcast_in_dim3A_48 : i32 to vector<8x2048xi32>
    %slice3A_50 = vector.extract_strided_slice %dot_general3A_28 {offsets = [24, 0], sizes = [8, 2048], strides = [1, 1]} : vector<512x2048xf32> to vector<8x2048xf32>
    %add3A_51 = vector.broadcast %get3A_20 : vector<1x2048xf32> to vector<8x2048xf32>
    %add3A_52 = arith.addf %add3A_51, %slice3A_50 : vector<8x2048xf32>
    %slice3A_53 = vector.extract_strided_slice %get3A_25 {offsets = [24, 0], sizes = [8, 1], strides = [1, 1]} : vector<512x1xf32> to vector<8x1xf32>
    %add3A_54 = vector.broadcast %slice3A_53 : vector<8x1xf32> to vector<8x2048xf32>
    %add3A_55 = arith.addf %add3A_52, %add3A_54 : vector<8x2048xf32>
    %broadcast_in_dim3A_56 = arith.constant 3 : i32
    %broadcast_in_dim3A_57 = vector.broadcast %broadcast_in_dim3A_56 : i32 to vector<8x2048xi32>
    %slice3A_58 = vector.extract_strided_slice %dot_general3A_28 {offsets = [32, 0], sizes = [8, 2048], strides = [1, 1]} : vector<512x2048xf32> to vector<8x2048xf32>
    %add3A_59 = vector.broadcast %get3A_20 : vector<1x2048xf32> to vector<8x2048xf32>
    %add3A_60 = arith.addf %add3A_59, %slice3A_58 : vector<8x2048xf32>
    %slice3A_61 = vector.extract_strided_slice %get3A_25 {offsets = [32, 0], sizes = [8, 1], strides = [1, 1]} : vector<512x1xf32> to vector<8x1xf32>
    %add3A_62 = vector.broadcast %slice3A_61 : vector<8x1xf32> to vector<8x2048xf32>
    %add3A_63 = arith.addf %add3A_60, %add3A_62 : vector<8x2048xf32>
    %lt3A = arith.cmpf olt, %add3A_63, %add3A_32 : vector<8x2048xf32>
    %select_n3A = arith.select %lt3A, %add3A_63, %add3A_32 : vector<8x2048xi1>, vector<8x2048xf32>
    %jit3A = arith.constant 4 : i32
    %broadcast_in_dim3A_64 = vector.broadcast %jit3A : i32 to vector<8x2048xi32>
    %select_n3A_65 = arith.select %lt3A, %broadcast_in_dim3A_64, %broadcast_in_dim3A_33 : vector<8x2048xi1>, vector<8x2048xi32>
    %slice3A_66 = vector.extract_strided_slice %dot_general3A_28 {offsets = [40, 0], sizes = [8, 2048], strides = [1, 1]} : vector<512x2048xf32> to vector<8x2048xf32>
    %add3A_67 = vector.broadcast %get3A_20 : vector<1x2048xf32> to vector<8x2048xf32>
    %add3A_68 = arith.addf %add3A_67, %slice3A_66 : vector<8x2048xf32>
    %slice3A_69 = vector.extract_strided_slice %get3A_25 {offsets = [40, 0], sizes = [8, 1], strides = [1, 1]} : vector<512x1xf32> to vector<8x1xf32>
    %add3A_70 = vector.broadcast %slice3A_69 : vector<8x1xf32> to vector<8x2048xf32>
    %add3A_71 = arith.addf %add3A_68, %add3A_70 : vector<8x2048xf32>
    %lt3A_72 = arith.cmpf olt, %add3A_71, %add3A_39 : vector<8x2048xf32>
    %select_n3A_73 = arith.select %lt3A_72, %add3A_71, %add3A_39 : vector<8x2048xi1>, vector<8x2048xf32>
    %jit3A_74 = arith.constant 5 : i32
    %broadcast_in_dim3A_75 = vector.broadcast %jit3A_74 : i32 to vector<8x2048xi32>
    %select_n3A_76 = arith.select %lt3A_72, %broadcast_in_dim3A_75, %broadcast_in_dim3A_41 : vector<8x2048xi1>, vector<8x2048xi32>
    %slice3A_77 = vector.extract_strided_slice %dot_general3A_28 {offsets = [48, 0], sizes = [8, 2048], strides = [1, 1]} : vector<512x2048xf32> to vector<8x2048xf32>
    %add3A_78 = vector.broadcast %get3A_20 : vector<1x2048xf32> to vector<8x2048xf32>
    %add3A_79 = arith.addf %add3A_78, %slice3A_77 : vector<8x2048xf32>
    %slice3A_80 = vector.extract_strided_slice %get3A_25 {offsets = [48, 0], sizes = [8, 1], strides = [1, 1]} : vector<512x1xf32> to vector<8x1xf32>
    %add3A_81 = vector.broadcast %slice3A_80 : vector<8x1xf32> to vector<8x2048xf32>
    %add3A_82 = arith.addf %add3A_79, %add3A_81 : vector<8x2048xf32>
    %lt3A_83 = arith.cmpf olt, %add3A_82, %add3A_47 : vector<8x2048xf32>
    %select_n3A_84 = arith.select %lt3A_83, %add3A_82, %add3A_47 : vector<8x2048xi1>, vector<8x2048xf32>
    %jit3A_85 = arith.constant 6 : i32
    %broadcast_in_dim3A_86 = vector.broadcast %jit3A_85 : i32 to vector<8x2048xi32>
    %select_n3A_87 = arith.select %lt3A_83, %broadcast_in_dim3A_86, %broadcast_in_dim3A_49 : vector<8x2048xi1>, vector<8x2048xi32>
    %slice3A_88 = vector.extract_strided_slice %dot_general3A_28 {offsets = [56, 0], sizes = [8, 2048], strides = [1, 1]} : vector<512x2048xf32> to vector<8x2048xf32>
    %add3A_89 = vector.broadcast %get3A_20 : vector<1x2048xf32> to vector<8x2048xf32>
    %add3A_90 = arith.addf %add3A_89, %slice3A_88 : vector<8x2048xf32>
    %slice3A_91 = vector.extract_strided_slice %get3A_25 {offsets = [56, 0], sizes = [8, 1], strides = [1, 1]} : vector<512x1xf32> to vector<8x1xf32>
    %add3A_92 = vector.broadcast %slice3A_91 : vector<8x1xf32> to vector<8x2048xf32>
    %add3A_93 = arith.addf %add3A_90, %add3A_92 : vector<8x2048xf32>
    %lt3A_94 = arith.cmpf olt, %add3A_93, %add3A_55 : vector<8x2048xf32>
    %select_n3A_95 = arith.select %lt3A_94, %add3A_93, %add3A_55 : vector<8x2048xi1>, vector<8x2048xf32>
    %jit3A_96 = arith.constant 7 : i32
    %broadcast_in_dim3A_97 = vector.broadcast %jit3A_96 : i32 to vector<8x2048xi32>
    %select_n3A_98 = arith.select %lt3A_94, %broadcast_in_dim3A_97, %broadcast_in_dim3A_57 : vector<8x2048xi1>, vector<8x2048xi32>
    %slice3A_99 = vector.extract_strided_slice %dot_general3A_28 {offsets = [64, 0], sizes = [8, 2048], strides = [1, 1]} : vector<512x2048xf32> to vector<8x2048xf32>
    %add3A_100 = vector.broadcast %get3A_20 : vector<1x2048xf32> to vector<8x2048xf32>
    %add3A_101 = arith.addf %add3A_100, %slice3A_99 : vector<8x2048xf32>
    %slice3A_102 = vector.extract_strided_slice %get3A_25 {offsets = [64, 0], sizes = [8, 1], strides = [1, 1]} : vector<512x1xf32> to vector<8x1xf32>
    %add3A_103 = vector.broadcast %slice3A_102 : vector<8x1xf32> to vector<8x2048xf32>
    %add3A_104 = arith.addf %add3A_101, %add3A_103 : vector<8x2048xf32>
    %lt3A_105 = arith.cmpf olt, %add3A_104, %select_n3A : vector<8x2048xf32>
    %select_n3A_106 = arith.select %lt3A_105, %add3A_104, %select_n3A : vector<8x2048xi1>, vector<8x2048xf32>
    %jit3A_107 = arith.constant 8 : i32
    %broadcast_in_dim3A_108 = vector.broadcast %jit3A_107 : i32 to vector<8x2048xi32>
    %select_n3A_109 = arith.select %lt3A_105, %broadcast_in_dim3A_108, %select_n3A_65 : vector<8x2048xi1>, vector<8x2048xi32>
    %slice3A_110 = vector.extract_strided_slice %dot_general3A_28 {offsets = [72, 0], sizes = [8, 2048], strides = [1, 1]} : vector<512x2048xf32> to vector<8x2048xf32>
    %add3A_111 = vector.broadcast %get3A_20 : vector<1x2048xf32> to vector<8x2048xf32>
    %add3A_112 = arith.addf %add3A_111, %slice3A_110 : vector<8x2048xf32>
    %slice3A_113 = vector.extract_strided_slice %get3A_25 {offsets = [72, 0], sizes = [8, 1], strides = [1, 1]} : vector<512x1xf32> to vector<8x1xf32>
    %add3A_114 = vector.broadcast %slice3A_113 : vector<8x1xf32> to vector<8x2048xf32>
    %add3A_115 = arith.addf %add3A_112, %add3A_114 : vector<8x2048xf32>
    %lt3A_116 = arith.cmpf olt, %add3A_115, %select_n3A_73 : vector<8x2048xf32>
    %select_n3A_117 = arith.select %lt3A_116, %add3A_115, %select_n3A_73 : vector<8x2048xi1>, vector<8x2048xf32>
    %jit3A_118 = arith.constant 9 : i32
    %broadcast_in_dim3A_119 = vector.broadcast %jit3A_118 : i32 to vector<8x2048xi32>
    %select_n3A_120 = arith.select %lt3A_116, %broadcast_in_dim3A_119, %select_n3A_76 : vector<8x2048xi1>, vector<8x2048xi32>
    %slice3A_121 = vector.extract_strided_slice %dot_general3A_28 {offsets = [80, 0], sizes = [8, 2048], strides = [1, 1]} : vector<512x2048xf32> to vector<8x2048xf32>
    %add3A_122 = vector.broadcast %get3A_20 : vector<1x2048xf32> to vector<8x2048xf32>
    %add3A_123 = arith.addf %add3A_122, %slice3A_121 : vector<8x2048xf32>
    %slice3A_124 = vector.extract_strided_slice %get3A_25 {offsets = [80, 0], sizes = [8, 1], strides = [1, 1]} : vector<512x1xf32> to vector<8x1xf32>
    %add3A_125 = vector.broadcast %slice3A_124 : vector<8x1xf32> to vector<8x2048xf32>
    %add3A_126 = arith.addf %add3A_123, %add3A_125 : vector<8x2048xf32>
    %lt3A_127 = arith.cmpf olt, %add3A_126, %select_n3A_84 : vector<8x2048xf32>
    %select_n3A_128 = arith.select %lt3A_127, %add3A_126, %select_n3A_84 : vector<8x2048xi1>, vector<8x2048xf32>
    %jit3A_129 = arith.constant 10 : i32
    %broadcast_in_dim3A_130 = vector.broadcast %jit3A_129 : i32 to vector<8x2048xi32>
    %select_n3A_131 = arith.select %lt3A_127, %broadcast_in_dim3A_130, %select_n3A_87 : vector<8x2048xi1>, vector<8x2048xi32>
    %slice3A_132 = vector.extract_strided_slice %dot_general3A_28 {offsets = [88, 0], sizes = [8, 2048], strides = [1, 1]} : vector<512x2048xf32> to vector<8x2048xf32>
    %add3A_133 = vector.broadcast %get3A_20 : vector<1x2048xf32> to vector<8x2048xf32>
    %add3A_134 = arith.addf %add3A_133, %slice3A_132 : vector<8x2048xf32>
    %slice3A_135 = vector.extract_strided_slice %get3A_25 {offsets = [88, 0], sizes = [8, 1], strides = [1, 1]} : vector<512x1xf32> to vector<8x1xf32>
    %add3A_136 = vector.broadcast %slice3A_135 : vector<8x1xf32> to vector<8x2048xf32>
    %add3A_137 = arith.addf %add3A_134, %add3A_136 : vector<8x2048xf32>
    %lt3A_138 = arith.cmpf olt, %add3A_137, %select_n3A_95 : vector<8x2048xf32>
    %select_n3A_139 = arith.select %lt3A_138, %add3A_137, %select_n3A_95 : vector<8x2048xi1>, vector<8x2048xf32>
    %jit3A_140 = arith.constant 11 : i32
    %broadcast_in_dim3A_141 = vector.broadcast %jit3A_140 : i32 to vector<8x2048xi32>
    %select_n3A_142 = arith.select %lt3A_138, %broadcast_in_dim3A_141, %select_n3A_98 : vector<8x2048xi1>, vector<8x2048xi32>
    %slice3A_143 = vector.extract_strided_slice %dot_general3A_28 {offsets = [96, 0], sizes = [8, 2048], strides = [1, 1]} : vector<512x2048xf32> to vector<8x2048xf32>
    %add3A_144 = vector.broadcast %get3A_20 : vector<1x2048xf32> to vector<8x2048xf32>
    %add3A_145 = arith.addf %add3A_144, %slice3A_143 : vector<8x2048xf32>
    %slice3A_146 = vector.extract_strided_slice %get3A_25 {offsets = [96, 0], sizes = [8, 1], strides = [1, 1]} : vector<512x1xf32> to vector<8x1xf32>
    %add3A_147 = vector.broadcast %slice3A_146 : vector<8x1xf32> to vector<8x2048xf32>
    %add3A_148 = arith.addf %add3A_145, %add3A_147 : vector<8x2048xf32>
    %lt3A_149 = arith.cmpf olt, %add3A_148, %select_n3A_106 : vector<8x2048xf32>
    %select_n3A_150 = arith.select %lt3A_149, %add3A_148, %select_n3A_106 : vector<8x2048xi1>, vector<8x2048xf32>
    %jit3A_151 = arith.constant 12 : i32
    %broadcast_in_dim3A_152 = vector.broadcast %jit3A_151 : i32 to vector<8x2048xi32>
    %select_n3A_153 = arith.select %lt3A_149, %broadcast_in_dim3A_152, %select_n3A_109 : vector<8x2048xi1>, vector<8x2048xi32>
    %slice3A_154 = vector.extract_strided_slice %dot_general3A_28 {offsets = [104, 0], sizes = [8, 2048], strides = [1, 1]} : vector<512x2048xf32> to vector<8x2048xf32>
    %add3A_155 = vector.broadcast %get3A_20 : vector<1x2048xf32> to vector<8x2048xf32>
    %add3A_156 = arith.addf %add3A_155, %slice3A_154 : vector<8x2048xf32>
    %slice3A_157 = vector.extract_strided_slice %get3A_25 {offsets = [104, 0], sizes = [8, 1], strides = [1, 1]} : vector<512x1xf32> to vector<8x1xf32>
    %add3A_158 = vector.broadcast %slice3A_157 : vector<8x1xf32> to vector<8x2048xf32>
    %add3A_159 = arith.addf %add3A_156, %add3A_158 : vector<8x2048xf32>
    %lt3A_160 = arith.cmpf olt, %add3A_159, %select_n3A_117 : vector<8x2048xf32>
    %select_n3A_161 = arith.select %lt3A_160, %add3A_159, %select_n3A_117 : vector<8x2048xi1>, vector<8x2048xf32>
    %jit3A_162 = arith.constant 13 : i32
    %broadcast_in_dim3A_163 = vector.broadcast %jit3A_162 : i32 to vector<8x2048xi32>
    %select_n3A_164 = arith.select %lt3A_160, %broadcast_in_dim3A_163, %select_n3A_120 : vector<8x2048xi1>, vector<8x2048xi32>
    %slice3A_165 = vector.extract_strided_slice %dot_general3A_28 {offsets = [112, 0], sizes = [8, 2048], strides = [1, 1]} : vector<512x2048xf32> to vector<8x2048xf32>
    %add3A_166 = vector.broadcast %get3A_20 : vector<1x2048xf32> to vector<8x2048xf32>
    %add3A_167 = arith.addf %add3A_166, %slice3A_165 : vector<8x2048xf32>
    %slice3A_168 = vector.extract_strided_slice %get3A_25 {offsets = [112, 0], sizes = [8, 1], strides = [1, 1]} : vector<512x1xf32> to vector<8x1xf32>
    %add3A_169 = vector.broadcast %slice3A_168 : vector<8x1xf32> to vector<8x2048xf32>
    %add3A_170 = arith.addf %add3A_167, %add3A_169 : vector<8x2048xf32>
    %lt3A_171 = arith.cmpf olt, %add3A_170, %select_n3A_128 : vector<8x2048xf32>
    %select_n3A_172 = arith.select %lt3A_171, %add3A_170, %select_n3A_128 : vector<8x2048xi1>, vector<8x2048xf32>
    %jit3A_173 = arith.constant 14 : i32
    %broadcast_in_dim3A_174 = vector.broadcast %jit3A_173 : i32 to vector<8x2048xi32>
    %select_n3A_175 = arith.select %lt3A_171, %broadcast_in_dim3A_174, %select_n3A_131 : vector<8x2048xi1>, vector<8x2048xi32>
    %slice3A_176 = vector.extract_strided_slice %dot_general3A_28 {offsets = [120, 0], sizes = [8, 2048], strides = [1, 1]} : vector<512x2048xf32> to vector<8x2048xf32>
    %add3A_177 = vector.broadcast %get3A_20 : vector<1x2048xf32> to vector<8x2048xf32>
    %add3A_178 = arith.addf %add3A_177, %slice3A_176 : vector<8x2048xf32>
    %slice3A_179 = vector.extract_strided_slice %get3A_25 {offsets = [120, 0], sizes = [8, 1], strides = [1, 1]} : vector<512x1xf32> to vector<8x1xf32>
    %add3A_180 = vector.broadcast %slice3A_179 : vector<8x1xf32> to vector<8x2048xf32>
    %add3A_181 = arith.addf %add3A_178, %add3A_180 : vector<8x2048xf32>
    %lt3A_182 = arith.cmpf olt, %add3A_181, %select_n3A_139 : vector<8x2048xf32>
    %select_n3A_183 = arith.select %lt3A_182, %add3A_181, %select_n3A_139 : vector<8x2048xi1>, vector<8x2048xf32>
    %jit3A_184 = arith.constant 15 : i32
    %broadcast_in_dim3A_185 = vector.broadcast %jit3A_184 : i32 to vector<8x2048xi32>
    %select_n3A_186 = arith.select %lt3A_182, %broadcast_in_dim3A_185, %select_n3A_142 : vector<8x2048xi1>, vector<8x2048xi32>
    %slice3A_187 = vector.extract_strided_slice %dot_general3A_28 {offsets = [128, 0], sizes = [8, 2048], strides = [1, 1]} : vector<512x2048xf32> to vector<8x2048xf32>
    %add3A_188 = vector.broadcast %get3A_20 : vector<1x2048xf32> to vector<8x2048xf32>
    %add3A_189 = arith.addf %add3A_188, %slice3A_187 : vector<8x2048xf32>
    %slice3A_190 = vector.extract_strided_slice %get3A_25 {offsets = [128, 0], sizes = [8, 1], strides = [1, 1]} : vector<512x1xf32> to vector<8x1xf32>
    %add3A_191 = vector.broadcast %slice3A_190 : vector<8x1xf32> to vector<8x2048xf32>
    %add3A_192 = arith.addf %add3A_189, %add3A_191 : vector<8x2048xf32>
    %lt3A_193 = arith.cmpf olt, %add3A_192, %select_n3A_150 : vector<8x2048xf32>
    %select_n3A_194 = arith.select %lt3A_193, %add3A_192, %select_n3A_150 : vector<8x2048xi1>, vector<8x2048xf32>
    %jit3A_195 = arith.constant 16 : i32
    %broadcast_in_dim3A_196 = vector.broadcast %jit3A_195 : i32 to vector<8x2048xi32>
    %select_n3A_197 = arith.select %lt3A_193, %broadcast_in_dim3A_196, %select_n3A_153 : vector<8x2048xi1>, vector<8x2048xi32>
    %slice3A_198 = vector.extract_strided_slice %dot_general3A_28 {offsets = [136, 0], sizes = [8, 2048], strides = [1, 1]} : vector<512x2048xf32> to vector<8x2048xf32>
    %add3A_199 = vector.broadcast %get3A_20 : vector<1x2048xf32> to vector<8x2048xf32>
    %add3A_200 = arith.addf %add3A_199, %slice3A_198 : vector<8x2048xf32>
    %slice3A_201 = vector.extract_strided_slice %get3A_25 {offsets = [136, 0], sizes = [8, 1], strides = [1, 1]} : vector<512x1xf32> to vector<8x1xf32>
    %add3A_202 = vector.broadcast %slice3A_201 : vector<8x1xf32> to vector<8x2048xf32>
    %add3A_203 = arith.addf %add3A_200, %add3A_202 : vector<8x2048xf32>
    %lt3A_204 = arith.cmpf olt, %add3A_203, %select_n3A_161 : vector<8x2048xf32>
    %select_n3A_205 = arith.select %lt3A_204, %add3A_203, %select_n3A_161 : vector<8x2048xi1>, vector<8x2048xf32>
    %jit3A_206 = arith.constant 17 : i32
    %broadcast_in_dim3A_207 = vector.broadcast %jit3A_206 : i32 to vector<8x2048xi32>
    %select_n3A_208 = arith.select %lt3A_204, %broadcast_in_dim3A_207, %select_n3A_164 : vector<8x2048xi1>, vector<8x2048xi32>
    %slice3A_209 = vector.extract_strided_slice %dot_general3A_28 {offsets = [144, 0], sizes = [8, 2048], strides = [1, 1]} : vector<512x2048xf32> to vector<8x2048xf32>
    %add3A_210 = vector.broadcast %get3A_20 : vector<1x2048xf32> to vector<8x2048xf32>
    %add3A_211 = arith.addf %add3A_210, %slice3A_209 : vector<8x2048xf32>
    %slice3A_212 = vector.extract_strided_slice %get3A_25 {offsets = [144, 0], sizes = [8, 1], strides = [1, 1]} : vector<512x1xf32> to vector<8x1xf32>
    %add3A_213 = vector.broadcast %slice3A_212 : vector<8x1xf32> to vector<8x2048xf32>
    %add3A_214 = arith.addf %add3A_211, %add3A_213 : vector<8x2048xf32>
    %lt3A_215 = arith.cmpf olt, %add3A_214, %select_n3A_172 : vector<8x2048xf32>
    %select_n3A_216 = arith.select %lt3A_215, %add3A_214, %select_n3A_172 : vector<8x2048xi1>, vector<8x2048xf32>
    %jit3A_217 = arith.constant 18 : i32
    %broadcast_in_dim3A_218 = vector.broadcast %jit3A_217 : i32 to vector<8x2048xi32>
    %select_n3A_219 = arith.select %lt3A_215, %broadcast_in_dim3A_218, %select_n3A_175 : vector<8x2048xi1>, vector<8x2048xi32>
    %slice3A_220 = vector.extract_strided_slice %dot_general3A_28 {offsets = [152, 0], sizes = [8, 2048], strides = [1, 1]} : vector<512x2048xf32> to vector<8x2048xf32>
    %add3A_221 = vector.broadcast %get3A_20 : vector<1x2048xf32> to vector<8x2048xf32>
    %add3A_222 = arith.addf %add3A_221, %slice3A_220 : vector<8x2048xf32>
    %slice3A_223 = vector.extract_strided_slice %get3A_25 {offsets = [152, 0], sizes = [8, 1], strides = [1, 1]} : vector<512x1xf32> to vector<8x1xf32>
    %add3A_224 = vector.broadcast %slice3A_223 : vector<8x1xf32> to vector<8x2048xf32>
    %add3A_225 = arith.addf %add3A_222, %add3A_224 : vector<8x2048xf32>
    %lt3A_226 = arith.cmpf olt, %add3A_225, %select_n3A_183 : vector<8x2048xf32>
    %select_n3A_227 = arith.select %lt3A_226, %add3A_225, %select_n3A_183 : vector<8x2048xi1>, vector<8x2048xf32>
    %jit3A_228 = arith.constant 19 : i32
    %broadcast_in_dim3A_229 = vector.broadcast %jit3A_228 : i32 to vector<8x2048xi32>
    %select_n3A_230 = arith.select %lt3A_226, %broadcast_in_dim3A_229, %select_n3A_186 : vector<8x2048xi1>, vector<8x2048xi32>
    %slice3A_231 = vector.extract_strided_slice %dot_general3A_28 {offsets = [160, 0], sizes = [8, 2048], strides = [1, 1]} : vector<512x2048xf32> to vector<8x2048xf32>
    %add3A_232 = vector.broadcast %get3A_20 : vector<1x2048xf32> to vector<8x2048xf32>
    %add3A_233 = arith.addf %add3A_232, %slice3A_231 : vector<8x2048xf32>
    %slice3A_234 = vector.extract_strided_slice %get3A_25 {offsets = [160, 0], sizes = [8, 1], strides = [1, 1]} : vector<512x1xf32> to vector<8x1xf32>
    %add3A_235 = vector.broadcast %slice3A_234 : vector<8x1xf32> to vector<8x2048xf32>
    %add3A_236 = arith.addf %add3A_233, %add3A_235 : vector<8x2048xf32>
    %lt3A_237 = arith.cmpf olt, %add3A_236, %select_n3A_194 : vector<8x2048xf32>
    %select_n3A_238 = arith.select %lt3A_237, %add3A_236, %select_n3A_194 : vector<8x2048xi1>, vector<8x2048xf32>
    %jit3A_239 = arith.constant 20 : i32
    %broadcast_in_dim3A_240 = vector.broadcast %jit3A_239 : i32 to vector<8x2048xi32>
    %select_n3A_241 = arith.select %lt3A_237, %broadcast_in_dim3A_240, %select_n3A_197 : vector<8x2048xi1>, vector<8x2048xi32>
    %slice3A_242 = vector.extract_strided_slice %dot_general3A_28 {offsets = [168, 0], sizes = [8, 2048], strides = [1, 1]} : vector<512x2048xf32> to vector<8x2048xf32>
    %add3A_243 = vector.broadcast %get3A_20 : vector<1x2048xf32> to vector<8x2048xf32>
    %add3A_244 = arith.addf %add3A_243, %slice3A_242 : vector<8x2048xf32>
    %slice3A_245 = vector.extract_strided_slice %get3A_25 {offsets = [168, 0], sizes = [8, 1], strides = [1, 1]} : vector<512x1xf32> to vector<8x1xf32>
    %add3A_246 = vector.broadcast %slice3A_245 : vector<8x1xf32> to vector<8x2048xf32>
    %add3A_247 = arith.addf %add3A_244, %add3A_246 : vector<8x2048xf32>
    %lt3A_248 = arith.cmpf olt, %add3A_247, %select_n3A_205 : vector<8x2048xf32>
    %select_n3A_249 = arith.select %lt3A_248, %add3A_247, %select_n3A_205 : vector<8x2048xi1>, vector<8x2048xf32>
    %jit3A_250 = arith.constant 21 : i32
    %broadcast_in_dim3A_251 = vector.broadcast %jit3A_250 : i32 to vector<8x2048xi32>
    %select_n3A_252 = arith.select %lt3A_248, %broadcast_in_dim3A_251, %select_n3A_208 : vector<8x2048xi1>, vector<8x2048xi32>
    %slice3A_253 = vector.extract_strided_slice %dot_general3A_28 {offsets = [176, 0], sizes = [8, 2048], strides = [1, 1]} : vector<512x2048xf32> to vector<8x2048xf32>
    %add3A_254 = vector.broadcast %get3A_20 : vector<1x2048xf32> to vector<8x2048xf32>
    %add3A_255 = arith.addf %add3A_254, %slice3A_253 : vector<8x2048xf32>
    %slice3A_256 = vector.extract_strided_slice %get3A_25 {offsets = [176, 0], sizes = [8, 1], strides = [1, 1]} : vector<512x1xf32> to vector<8x1xf32>
    %add3A_257 = vector.broadcast %slice3A_256 : vector<8x1xf32> to vector<8x2048xf32>
    %add3A_258 = arith.addf %add3A_255, %add3A_257 : vector<8x2048xf32>
    %lt3A_259 = arith.cmpf olt, %add3A_258, %select_n3A_216 : vector<8x2048xf32>
    %select_n3A_260 = arith.select %lt3A_259, %add3A_258, %select_n3A_216 : vector<8x2048xi1>, vector<8x2048xf32>
    %jit3A_261 = arith.constant 22 : i32
    %broadcast_in_dim3A_262 = vector.broadcast %jit3A_261 : i32 to vector<8x2048xi32>
    %select_n3A_263 = arith.select %lt3A_259, %broadcast_in_dim3A_262, %select_n3A_219 : vector<8x2048xi1>, vector<8x2048xi32>
    %slice3A_264 = vector.extract_strided_slice %dot_general3A_28 {offsets = [184, 0], sizes = [8, 2048], strides = [1, 1]} : vector<512x2048xf32> to vector<8x2048xf32>
    %add3A_265 = vector.broadcast %get3A_20 : vector<1x2048xf32> to vector<8x2048xf32>
    %add3A_266 = arith.addf %add3A_265, %slice3A_264 : vector<8x2048xf32>
    %slice3A_267 = vector.extract_strided_slice %get3A_25 {offsets = [184, 0], sizes = [8, 1], strides = [1, 1]} : vector<512x1xf32> to vector<8x1xf32>
    %add3A_268 = vector.broadcast %slice3A_267 : vector<8x1xf32> to vector<8x2048xf32>
    %add3A_269 = arith.addf %add3A_266, %add3A_268 : vector<8x2048xf32>
    %lt3A_270 = arith.cmpf olt, %add3A_269, %select_n3A_227 : vector<8x2048xf32>
    %select_n3A_271 = arith.select %lt3A_270, %add3A_269, %select_n3A_227 : vector<8x2048xi1>, vector<8x2048xf32>
    %jit3A_272 = arith.constant 23 : i32
    %broadcast_in_dim3A_273 = vector.broadcast %jit3A_272 : i32 to vector<8x2048xi32>
    %select_n3A_274 = arith.select %lt3A_270, %broadcast_in_dim3A_273, %select_n3A_230 : vector<8x2048xi1>, vector<8x2048xi32>
    %slice3A_275 = vector.extract_strided_slice %dot_general3A_28 {offsets = [192, 0], sizes = [8, 2048], strides = [1, 1]} : vector<512x2048xf32> to vector<8x2048xf32>
    %add3A_276 = vector.broadcast %get3A_20 : vector<1x2048xf32> to vector<8x2048xf32>
    %add3A_277 = arith.addf %add3A_276, %slice3A_275 : vector<8x2048xf32>
    %slice3A_278 = vector.extract_strided_slice %get3A_25 {offsets = [192, 0], sizes = [8, 1], strides = [1, 1]} : vector<512x1xf32> to vector<8x1xf32>
    %add3A_279 = vector.broadcast %slice3A_278 : vector<8x1xf32> to vector<8x2048xf32>
    %add3A_280 = arith.addf %add3A_277, %add3A_279 : vector<8x2048xf32>
    %lt3A_281 = arith.cmpf olt, %add3A_280, %select_n3A_238 : vector<8x2048xf32>
    %select_n3A_282 = arith.select %lt3A_281, %add3A_280, %select_n3A_238 : vector<8x2048xi1>, vector<8x2048xf32>
    %jit3A_283 = arith.constant 24 : i32
    %broadcast_in_dim3A_284 = vector.broadcast %jit3A_283 : i32 to vector<8x2048xi32>
    %select_n3A_285 = arith.select %lt3A_281, %broadcast_in_dim3A_284, %select_n3A_241 : vector<8x2048xi1>, vector<8x2048xi32>
    %slice3A_286 = vector.extract_strided_slice %dot_general3A_28 {offsets = [200, 0], sizes = [8, 2048], strides = [1, 1]} : vector<512x2048xf32> to vector<8x2048xf32>
    %add3A_287 = vector.broadcast %get3A_20 : vector<1x2048xf32> to vector<8x2048xf32>
    %add3A_288 = arith.addf %add3A_287, %slice3A_286 : vector<8x2048xf32>
    %slice3A_289 = vector.extract_strided_slice %get3A_25 {offsets = [200, 0], sizes = [8, 1], strides = [1, 1]} : vector<512x1xf32> to vector<8x1xf32>
    %add3A_290 = vector.broadcast %slice3A_289 : vector<8x1xf32> to vector<8x2048xf32>
    %add3A_291 = arith.addf %add3A_288, %add3A_290 : vector<8x2048xf32>
    %lt3A_292 = arith.cmpf olt, %add3A_291, %select_n3A_249 : vector<8x2048xf32>
    %select_n3A_293 = arith.select %lt3A_292, %add3A_291, %select_n3A_249 : vector<8x2048xi1>, vector<8x2048xf32>
    %jit3A_294 = arith.constant 25 : i32
    %broadcast_in_dim3A_295 = vector.broadcast %jit3A_294 : i32 to vector<8x2048xi32>
    %select_n3A_296 = arith.select %lt3A_292, %broadcast_in_dim3A_295, %select_n3A_252 : vector<8x2048xi1>, vector<8x2048xi32>
    %slice3A_297 = vector.extract_strided_slice %dot_general3A_28 {offsets = [208, 0], sizes = [8, 2048], strides = [1, 1]} : vector<512x2048xf32> to vector<8x2048xf32>
    %add3A_298 = vector.broadcast %get3A_20 : vector<1x2048xf32> to vector<8x2048xf32>
    %add3A_299 = arith.addf %add3A_298, %slice3A_297 : vector<8x2048xf32>
    %slice3A_300 = vector.extract_strided_slice %get3A_25 {offsets = [208, 0], sizes = [8, 1], strides = [1, 1]} : vector<512x1xf32> to vector<8x1xf32>
    %add3A_301 = vector.broadcast %slice3A_300 : vector<8x1xf32> to vector<8x2048xf32>
    %add3A_302 = arith.addf %add3A_299, %add3A_301 : vector<8x2048xf32>
    %lt3A_303 = arith.cmpf olt, %add3A_302, %select_n3A_260 : vector<8x2048xf32>
    %select_n3A_304 = arith.select %lt3A_303, %add3A_302, %select_n3A_260 : vector<8x2048xi1>, vector<8x2048xf32>
    %jit3A_305 = arith.constant 26 : i32
    %broadcast_in_dim3A_306 = vector.broadcast %jit3A_305 : i32 to vector<8x2048xi32>
    %select_n3A_307 = arith.select %lt3A_303, %broadcast_in_dim3A_306, %select_n3A_263 : vector<8x2048xi1>, vector<8x2048xi32>
    %slice3A_308 = vector.extract_strided_slice %dot_general3A_28 {offsets = [216, 0], sizes = [8, 2048], strides = [1, 1]} : vector<512x2048xf32> to vector<8x2048xf32>
    %add3A_309 = vector.broadcast %get3A_20 : vector<1x2048xf32> to vector<8x2048xf32>
    %add3A_310 = arith.addf %add3A_309, %slice3A_308 : vector<8x2048xf32>
    %slice3A_311 = vector.extract_strided_slice %get3A_25 {offsets = [216, 0], sizes = [8, 1], strides = [1, 1]} : vector<512x1xf32> to vector<8x1xf32>
    %add3A_312 = vector.broadcast %slice3A_311 : vector<8x1xf32> to vector<8x2048xf32>
    %add3A_313 = arith.addf %add3A_310, %add3A_312 : vector<8x2048xf32>
    %lt3A_314 = arith.cmpf olt, %add3A_313, %select_n3A_271 : vector<8x2048xf32>
    %select_n3A_315 = arith.select %lt3A_314, %add3A_313, %select_n3A_271 : vector<8x2048xi1>, vector<8x2048xf32>
    %jit3A_316 = arith.constant 27 : i32
    %broadcast_in_dim3A_317 = vector.broadcast %jit3A_316 : i32 to vector<8x2048xi32>
    %select_n3A_318 = arith.select %lt3A_314, %broadcast_in_dim3A_317, %select_n3A_274 : vector<8x2048xi1>, vector<8x2048xi32>
    %slice3A_319 = vector.extract_strided_slice %dot_general3A_28 {offsets = [224, 0], sizes = [8, 2048], strides = [1, 1]} : vector<512x2048xf32> to vector<8x2048xf32>
    %add3A_320 = vector.broadcast %get3A_20 : vector<1x2048xf32> to vector<8x2048xf32>
    %add3A_321 = arith.addf %add3A_320, %slice3A_319 : vector<8x2048xf32>
    %slice3A_322 = vector.extract_strided_slice %get3A_25 {offsets = [224, 0], sizes = [8, 1], strides = [1, 1]} : vector<512x1xf32> to vector<8x1xf32>
    %add3A_323 = vector.broadcast %slice3A_322 : vector<8x1xf32> to vector<8x2048xf32>
    %add3A_324 = arith.addf %add3A_321, %add3A_323 : vector<8x2048xf32>
    %lt3A_325 = arith.cmpf olt, %add3A_324, %select_n3A_282 : vector<8x2048xf32>
    %select_n3A_326 = arith.select %lt3A_325, %add3A_324, %select_n3A_282 : vector<8x2048xi1>, vector<8x2048xf32>
    %jit3A_327 = arith.constant 28 : i32
    %broadcast_in_dim3A_328 = vector.broadcast %jit3A_327 : i32 to vector<8x2048xi32>
    %select_n3A_329 = arith.select %lt3A_325, %broadcast_in_dim3A_328, %select_n3A_285 : vector<8x2048xi1>, vector<8x2048xi32>
    %slice3A_330 = vector.extract_strided_slice %dot_general3A_28 {offsets = [232, 0], sizes = [8, 2048], strides = [1, 1]} : vector<512x2048xf32> to vector<8x2048xf32>
    %add3A_331 = vector.broadcast %get3A_20 : vector<1x2048xf32> to vector<8x2048xf32>
    %add3A_332 = arith.addf %add3A_331, %slice3A_330 : vector<8x2048xf32>
    %slice3A_333 = vector.extract_strided_slice %get3A_25 {offsets = [232, 0], sizes = [8, 1], strides = [1, 1]} : vector<512x1xf32> to vector<8x1xf32>
    %add3A_334 = vector.broadcast %slice3A_333 : vector<8x1xf32> to vector<8x2048xf32>
    %add3A_335 = arith.addf %add3A_332, %add3A_334 : vector<8x2048xf32>
    %lt3A_336 = arith.cmpf olt, %add3A_335, %select_n3A_293 : vector<8x2048xf32>
    %select_n3A_337 = arith.select %lt3A_336, %add3A_335, %select_n3A_293 : vector<8x2048xi1>, vector<8x2048xf32>
    %jit3A_338 = arith.constant 29 : i32
    %broadcast_in_dim3A_339 = vector.broadcast %jit3A_338 : i32 to vector<8x2048xi32>
    %select_n3A_340 = arith.select %lt3A_336, %broadcast_in_dim3A_339, %select_n3A_296 : vector<8x2048xi1>, vector<8x2048xi32>
    %slice3A_341 = vector.extract_strided_slice %dot_general3A_28 {offsets = [240, 0], sizes = [8, 2048], strides = [1, 1]} : vector<512x2048xf32> to vector<8x2048xf32>
    %add3A_342 = vector.broadcast %get3A_20 : vector<1x2048xf32> to vector<8x2048xf32>
    %add3A_343 = arith.addf %add3A_342, %slice3A_341 : vector<8x2048xf32>
    %slice3A_344 = vector.extract_strided_slice %get3A_25 {offsets = [240, 0], sizes = [8, 1], strides = [1, 1]} : vector<512x1xf32> to vector<8x1xf32>
    %add3A_345 = vector.broadcast %slice3A_344 : vector<8x1xf32> to vector<8x2048xf32>
    %add3A_346 = arith.addf %add3A_343, %add3A_345 : vector<8x2048xf32>
    %lt3A_347 = arith.cmpf olt, %add3A_346, %select_n3A_304 : vector<8x2048xf32>
    %select_n3A_348 = arith.select %lt3A_347, %add3A_346, %select_n3A_304 : vector<8x2048xi1>, vector<8x2048xf32>
    %jit3A_349 = arith.constant 30 : i32
    %broadcast_in_dim3A_350 = vector.broadcast %jit3A_349 : i32 to vector<8x2048xi32>
    %select_n3A_351 = arith.select %lt3A_347, %broadcast_in_dim3A_350, %select_n3A_307 : vector<8x2048xi1>, vector<8x2048xi32>
    %slice3A_352 = vector.extract_strided_slice %dot_general3A_28 {offsets = [248, 0], sizes = [8, 2048], strides = [1, 1]} : vector<512x2048xf32> to vector<8x2048xf32>
    %add3A_353 = vector.broadcast %get3A_20 : vector<1x2048xf32> to vector<8x2048xf32>
    %add3A_354 = arith.addf %add3A_353, %slice3A_352 : vector<8x2048xf32>
    %slice3A_355 = vector.extract_strided_slice %get3A_25 {offsets = [248, 0], sizes = [8, 1], strides = [1, 1]} : vector<512x1xf32> to vector<8x1xf32>
    %add3A_356 = vector.broadcast %slice3A_355 : vector<8x1xf32> to vector<8x2048xf32>
    %add3A_357 = arith.addf %add3A_354, %add3A_356 : vector<8x2048xf32>
    %lt3A_358 = arith.cmpf olt, %add3A_357, %select_n3A_315 : vector<8x2048xf32>
    %select_n3A_359 = arith.select %lt3A_358, %add3A_357, %select_n3A_315 : vector<8x2048xi1>, vector<8x2048xf32>
    %jit3A_360 = arith.constant 31 : i32
    %broadcast_in_dim3A_361 = vector.broadcast %jit3A_360 : i32 to vector<8x2048xi32>
    %select_n3A_362 = arith.select %lt3A_358, %broadcast_in_dim3A_361, %select_n3A_318 : vector<8x2048xi1>, vector<8x2048xi32>
    %slice3A_363 = vector.extract_strided_slice %dot_general3A_28 {offsets = [256, 0], sizes = [8, 2048], strides = [1, 1]} : vector<512x2048xf32> to vector<8x2048xf32>
    %add3A_364 = vector.broadcast %get3A_20 : vector<1x2048xf32> to vector<8x2048xf32>
    %add3A_365 = arith.addf %add3A_364, %slice3A_363 : vector<8x2048xf32>
    %slice3A_366 = vector.extract_strided_slice %get3A_25 {offsets = [256, 0], sizes = [8, 1], strides = [1, 1]} : vector<512x1xf32> to vector<8x1xf32>
    %add3A_367 = vector.broadcast %slice3A_366 : vector<8x1xf32> to vector<8x2048xf32>
    %add3A_368 = arith.addf %add3A_365, %add3A_367 : vector<8x2048xf32>
    %lt3A_369 = arith.cmpf olt, %add3A_368, %select_n3A_326 : vector<8x2048xf32>
    %select_n3A_370 = arith.select %lt3A_369, %add3A_368, %select_n3A_326 : vector<8x2048xi1>, vector<8x2048xf32>
    %jit3A_371 = arith.constant 32 : i32
    %broadcast_in_dim3A_372 = vector.broadcast %jit3A_371 : i32 to vector<8x2048xi32>
    %select_n3A_373 = arith.select %lt3A_369, %broadcast_in_dim3A_372, %select_n3A_329 : vector<8x2048xi1>, vector<8x2048xi32>
    %slice3A_374 = vector.extract_strided_slice %dot_general3A_28 {offsets = [264, 0], sizes = [8, 2048], strides = [1, 1]} : vector<512x2048xf32> to vector<8x2048xf32>
    %add3A_375 = vector.broadcast %get3A_20 : vector<1x2048xf32> to vector<8x2048xf32>
    %add3A_376 = arith.addf %add3A_375, %slice3A_374 : vector<8x2048xf32>
    %slice3A_377 = vector.extract_strided_slice %get3A_25 {offsets = [264, 0], sizes = [8, 1], strides = [1, 1]} : vector<512x1xf32> to vector<8x1xf32>
    %add3A_378 = vector.broadcast %slice3A_377 : vector<8x1xf32> to vector<8x2048xf32>
    %add3A_379 = arith.addf %add3A_376, %add3A_378 : vector<8x2048xf32>
    %lt3A_380 = arith.cmpf olt, %add3A_379, %select_n3A_337 : vector<8x2048xf32>
    %select_n3A_381 = arith.select %lt3A_380, %add3A_379, %select_n3A_337 : vector<8x2048xi1>, vector<8x2048xf32>
    %jit3A_382 = arith.constant 33 : i32
    %broadcast_in_dim3A_383 = vector.broadcast %jit3A_382 : i32 to vector<8x2048xi32>
    %select_n3A_384 = arith.select %lt3A_380, %broadcast_in_dim3A_383, %select_n3A_340 : vector<8x2048xi1>, vector<8x2048xi32>
    %slice3A_385 = vector.extract_strided_slice %dot_general3A_28 {offsets = [272, 0], sizes = [8, 2048], strides = [1, 1]} : vector<512x2048xf32> to vector<8x2048xf32>
    %add3A_386 = vector.broadcast %get3A_20 : vector<1x2048xf32> to vector<8x2048xf32>
    %add3A_387 = arith.addf %add3A_386, %slice3A_385 : vector<8x2048xf32>
    %slice3A_388 = vector.extract_strided_slice %get3A_25 {offsets = [272, 0], sizes = [8, 1], strides = [1, 1]} : vector<512x1xf32> to vector<8x1xf32>
    %add3A_389 = vector.broadcast %slice3A_388 : vector<8x1xf32> to vector<8x2048xf32>
    %add3A_390 = arith.addf %add3A_387, %add3A_389 : vector<8x2048xf32>
    %lt3A_391 = arith.cmpf olt, %add3A_390, %select_n3A_348 : vector<8x2048xf32>
    %select_n3A_392 = arith.select %lt3A_391, %add3A_390, %select_n3A_348 : vector<8x2048xi1>, vector<8x2048xf32>
    %jit3A_393 = arith.constant 34 : i32
    %broadcast_in_dim3A_394 = vector.broadcast %jit3A_393 : i32 to vector<8x2048xi32>
    %select_n3A_395 = arith.select %lt3A_391, %broadcast_in_dim3A_394, %select_n3A_351 : vector<8x2048xi1>, vector<8x2048xi32>
    %slice3A_396 = vector.extract_strided_slice %dot_general3A_28 {offsets = [280, 0], sizes = [8, 2048], strides = [1, 1]} : vector<512x2048xf32> to vector<8x2048xf32>
    %add3A_397 = vector.broadcast %get3A_20 : vector<1x2048xf32> to vector<8x2048xf32>
    %add3A_398 = arith.addf %add3A_397, %slice3A_396 : vector<8x2048xf32>
    %slice3A_399 = vector.extract_strided_slice %get3A_25 {offsets = [280, 0], sizes = [8, 1], strides = [1, 1]} : vector<512x1xf32> to vector<8x1xf32>
    %add3A_400 = vector.broadcast %slice3A_399 : vector<8x1xf32> to vector<8x2048xf32>
    %add3A_401 = arith.addf %add3A_398, %add3A_400 : vector<8x2048xf32>
    %lt3A_402 = arith.cmpf olt, %add3A_401, %select_n3A_359 : vector<8x2048xf32>
    %select_n3A_403 = arith.select %lt3A_402, %add3A_401, %select_n3A_359 : vector<8x2048xi1>, vector<8x2048xf32>
    %jit3A_404 = arith.constant 35 : i32
    %broadcast_in_dim3A_405 = vector.broadcast %jit3A_404 : i32 to vector<8x2048xi32>
    %select_n3A_406 = arith.select %lt3A_402, %broadcast_in_dim3A_405, %select_n3A_362 : vector<8x2048xi1>, vector<8x2048xi32>
    %slice3A_407 = vector.extract_strided_slice %dot_general3A_28 {offsets = [288, 0], sizes = [8, 2048], strides = [1, 1]} : vector<512x2048xf32> to vector<8x2048xf32>
    %add3A_408 = vector.broadcast %get3A_20 : vector<1x2048xf32> to vector<8x2048xf32>
    %add3A_409 = arith.addf %add3A_408, %slice3A_407 : vector<8x2048xf32>
    %slice3A_410 = vector.extract_strided_slice %get3A_25 {offsets = [288, 0], sizes = [8, 1], strides = [1, 1]} : vector<512x1xf32> to vector<8x1xf32>
    %add3A_411 = vector.broadcast %slice3A_410 : vector<8x1xf32> to vector<8x2048xf32>
    %add3A_412 = arith.addf %add3A_409, %add3A_411 : vector<8x2048xf32>
    %lt3A_413 = arith.cmpf olt, %add3A_412, %select_n3A_370 : vector<8x2048xf32>
    %select_n3A_414 = arith.select %lt3A_413, %add3A_412, %select_n3A_370 : vector<8x2048xi1>, vector<8x2048xf32>
    %jit3A_415 = arith.constant 36 : i32
    %broadcast_in_dim3A_416 = vector.broadcast %jit3A_415 : i32 to vector<8x2048xi32>
    %select_n3A_417 = arith.select %lt3A_413, %broadcast_in_dim3A_416, %select_n3A_373 : vector<8x2048xi1>, vector<8x2048xi32>
    %slice3A_418 = vector.extract_strided_slice %dot_general3A_28 {offsets = [296, 0], sizes = [8, 2048], strides = [1, 1]} : vector<512x2048xf32> to vector<8x2048xf32>
    %add3A_419 = vector.broadcast %get3A_20 : vector<1x2048xf32> to vector<8x2048xf32>
    %add3A_420 = arith.addf %add3A_419, %slice3A_418 : vector<8x2048xf32>
    %slice3A_421 = vector.extract_strided_slice %get3A_25 {offsets = [296, 0], sizes = [8, 1], strides = [1, 1]} : vector<512x1xf32> to vector<8x1xf32>
    %add3A_422 = vector.broadcast %slice3A_421 : vector<8x1xf32> to vector<8x2048xf32>
    %add3A_423 = arith.addf %add3A_420, %add3A_422 : vector<8x2048xf32>
    %lt3A_424 = arith.cmpf olt, %add3A_423, %select_n3A_381 : vector<8x2048xf32>
    %select_n3A_425 = arith.select %lt3A_424, %add3A_423, %select_n3A_381 : vector<8x2048xi1>, vector<8x2048xf32>
    %jit3A_426 = arith.constant 37 : i32
    %broadcast_in_dim3A_427 = vector.broadcast %jit3A_426 : i32 to vector<8x2048xi32>
    %select_n3A_428 = arith.select %lt3A_424, %broadcast_in_dim3A_427, %select_n3A_384 : vector<8x2048xi1>, vector<8x2048xi32>
    %slice3A_429 = vector.extract_strided_slice %dot_general3A_28 {offsets = [304, 0], sizes = [8, 2048], strides = [1, 1]} : vector<512x2048xf32> to vector<8x2048xf32>
    %add3A_430 = vector.broadcast %get3A_20 : vector<1x2048xf32> to vector<8x2048xf32>
    %add3A_431 = arith.addf %add3A_430, %slice3A_429 : vector<8x2048xf32>
    %slice3A_432 = vector.extract_strided_slice %get3A_25 {offsets = [304, 0], sizes = [8, 1], strides = [1, 1]} : vector<512x1xf32> to vector<8x1xf32>
    %add3A_433 = vector.broadcast %slice3A_432 : vector<8x1xf32> to vector<8x2048xf32>
    %add3A_434 = arith.addf %add3A_431, %add3A_433 : vector<8x2048xf32>
    %lt3A_435 = arith.cmpf olt, %add3A_434, %select_n3A_392 : vector<8x2048xf32>
    %select_n3A_436 = arith.select %lt3A_435, %add3A_434, %select_n3A_392 : vector<8x2048xi1>, vector<8x2048xf32>
    %jit3A_437 = arith.constant 38 : i32
    %broadcast_in_dim3A_438 = vector.broadcast %jit3A_437 : i32 to vector<8x2048xi32>
    %select_n3A_439 = arith.select %lt3A_435, %broadcast_in_dim3A_438, %select_n3A_395 : vector<8x2048xi1>, vector<8x2048xi32>
    %slice3A_440 = vector.extract_strided_slice %dot_general3A_28 {offsets = [312, 0], sizes = [8, 2048], strides = [1, 1]} : vector<512x2048xf32> to vector<8x2048xf32>
    %add3A_441 = vector.broadcast %get3A_20 : vector<1x2048xf32> to vector<8x2048xf32>
    %add3A_442 = arith.addf %add3A_441, %slice3A_440 : vector<8x2048xf32>
    %slice3A_443 = vector.extract_strided_slice %get3A_25 {offsets = [312, 0], sizes = [8, 1], strides = [1, 1]} : vector<512x1xf32> to vector<8x1xf32>
    %add3A_444 = vector.broadcast %slice3A_443 : vector<8x1xf32> to vector<8x2048xf32>
    %add3A_445 = arith.addf %add3A_442, %add3A_444 : vector<8x2048xf32>
    %lt3A_446 = arith.cmpf olt, %add3A_445, %select_n3A_403 : vector<8x2048xf32>
    %select_n3A_447 = arith.select %lt3A_446, %add3A_445, %select_n3A_403 : vector<8x2048xi1>, vector<8x2048xf32>
    %jit3A_448 = arith.constant 39 : i32
    %broadcast_in_dim3A_449 = vector.broadcast %jit3A_448 : i32 to vector<8x2048xi32>
    %select_n3A_450 = arith.select %lt3A_446, %broadcast_in_dim3A_449, %select_n3A_406 : vector<8x2048xi1>, vector<8x2048xi32>
    %slice3A_451 = vector.extract_strided_slice %dot_general3A_28 {offsets = [320, 0], sizes = [8, 2048], strides = [1, 1]} : vector<512x2048xf32> to vector<8x2048xf32>
    %add3A_452 = vector.broadcast %get3A_20 : vector<1x2048xf32> to vector<8x2048xf32>
    %add3A_453 = arith.addf %add3A_452, %slice3A_451 : vector<8x2048xf32>
    %slice3A_454 = vector.extract_strided_slice %get3A_25 {offsets = [320, 0], sizes = [8, 1], strides = [1, 1]} : vector<512x1xf32> to vector<8x1xf32>
    %add3A_455 = vector.broadcast %slice3A_454 : vector<8x1xf32> to vector<8x2048xf32>
    %add3A_456 = arith.addf %add3A_453, %add3A_455 : vector<8x2048xf32>
    %lt3A_457 = arith.cmpf olt, %add3A_456, %select_n3A_414 : vector<8x2048xf32>
    %select_n3A_458 = arith.select %lt3A_457, %add3A_456, %select_n3A_414 : vector<8x2048xi1>, vector<8x2048xf32>
    %jit3A_459 = arith.constant 40 : i32
    %broadcast_in_dim3A_460 = vector.broadcast %jit3A_459 : i32 to vector<8x2048xi32>
    %select_n3A_461 = arith.select %lt3A_457, %broadcast_in_dim3A_460, %select_n3A_417 : vector<8x2048xi1>, vector<8x2048xi32>
    %slice3A_462 = vector.extract_strided_slice %dot_general3A_28 {offsets = [328, 0], sizes = [8, 2048], strides = [1, 1]} : vector<512x2048xf32> to vector<8x2048xf32>
    %add3A_463 = vector.broadcast %get3A_20 : vector<1x2048xf32> to vector<8x2048xf32>
    %add3A_464 = arith.addf %add3A_463, %slice3A_462 : vector<8x2048xf32>
    %slice3A_465 = vector.extract_strided_slice %get3A_25 {offsets = [328, 0], sizes = [8, 1], strides = [1, 1]} : vector<512x1xf32> to vector<8x1xf32>
    %add3A_466 = vector.broadcast %slice3A_465 : vector<8x1xf32> to vector<8x2048xf32>
    %add3A_467 = arith.addf %add3A_464, %add3A_466 : vector<8x2048xf32>
    %lt3A_468 = arith.cmpf olt, %add3A_467, %select_n3A_425 : vector<8x2048xf32>
    %select_n3A_469 = arith.select %lt3A_468, %add3A_467, %select_n3A_425 : vector<8x2048xi1>, vector<8x2048xf32>
    %jit3A_470 = arith.constant 41 : i32
    %broadcast_in_dim3A_471 = vector.broadcast %jit3A_470 : i32 to vector<8x2048xi32>
    %select_n3A_472 = arith.select %lt3A_468, %broadcast_in_dim3A_471, %select_n3A_428 : vector<8x2048xi1>, vector<8x2048xi32>
    %slice3A_473 = vector.extract_strided_slice %dot_general3A_28 {offsets = [336, 0], sizes = [8, 2048], strides = [1, 1]} : vector<512x2048xf32> to vector<8x2048xf32>
    %add3A_474 = vector.broadcast %get3A_20 : vector<1x2048xf32> to vector<8x2048xf32>
    %add3A_475 = arith.addf %add3A_474, %slice3A_473 : vector<8x2048xf32>
    %slice3A_476 = vector.extract_strided_slice %get3A_25 {offsets = [336, 0], sizes = [8, 1], strides = [1, 1]} : vector<512x1xf32> to vector<8x1xf32>
    %add3A_477 = vector.broadcast %slice3A_476 : vector<8x1xf32> to vector<8x2048xf32>
    %add3A_478 = arith.addf %add3A_475, %add3A_477 : vector<8x2048xf32>
    %lt3A_479 = arith.cmpf olt, %add3A_478, %select_n3A_436 : vector<8x2048xf32>
    %select_n3A_480 = arith.select %lt3A_479, %add3A_478, %select_n3A_436 : vector<8x2048xi1>, vector<8x2048xf32>
    %jit3A_481 = arith.constant 42 : i32
    %broadcast_in_dim3A_482 = vector.broadcast %jit3A_481 : i32 to vector<8x2048xi32>
    %select_n3A_483 = arith.select %lt3A_479, %broadcast_in_dim3A_482, %select_n3A_439 : vector<8x2048xi1>, vector<8x2048xi32>
    %slice3A_484 = vector.extract_strided_slice %dot_general3A_28 {offsets = [344, 0], sizes = [8, 2048], strides = [1, 1]} : vector<512x2048xf32> to vector<8x2048xf32>
    %add3A_485 = vector.broadcast %get3A_20 : vector<1x2048xf32> to vector<8x2048xf32>
    %add3A_486 = arith.addf %add3A_485, %slice3A_484 : vector<8x2048xf32>
    %slice3A_487 = vector.extract_strided_slice %get3A_25 {offsets = [344, 0], sizes = [8, 1], strides = [1, 1]} : vector<512x1xf32> to vector<8x1xf32>
    %add3A_488 = vector.broadcast %slice3A_487 : vector<8x1xf32> to vector<8x2048xf32>
    %add3A_489 = arith.addf %add3A_486, %add3A_488 : vector<8x2048xf32>
    %lt3A_490 = arith.cmpf olt, %add3A_489, %select_n3A_447 : vector<8x2048xf32>
    %select_n3A_491 = arith.select %lt3A_490, %add3A_489, %select_n3A_447 : vector<8x2048xi1>, vector<8x2048xf32>
    %jit3A_492 = arith.constant 43 : i32
    %broadcast_in_dim3A_493 = vector.broadcast %jit3A_492 : i32 to vector<8x2048xi32>
    %select_n3A_494 = arith.select %lt3A_490, %broadcast_in_dim3A_493, %select_n3A_450 : vector<8x2048xi1>, vector<8x2048xi32>
    %slice3A_495 = vector.extract_strided_slice %dot_general3A_28 {offsets = [352, 0], sizes = [8, 2048], strides = [1, 1]} : vector<512x2048xf32> to vector<8x2048xf32>
    %add3A_496 = vector.broadcast %get3A_20 : vector<1x2048xf32> to vector<8x2048xf32>
    %add3A_497 = arith.addf %add3A_496, %slice3A_495 : vector<8x2048xf32>
    %slice3A_498 = vector.extract_strided_slice %get3A_25 {offsets = [352, 0], sizes = [8, 1], strides = [1, 1]} : vector<512x1xf32> to vector<8x1xf32>
    %add3A_499 = vector.broadcast %slice3A_498 : vector<8x1xf32> to vector<8x2048xf32>
    %add3A_500 = arith.addf %add3A_497, %add3A_499 : vector<8x2048xf32>
    %lt3A_501 = arith.cmpf olt, %add3A_500, %select_n3A_458 : vector<8x2048xf32>
    %select_n3A_502 = arith.select %lt3A_501, %add3A_500, %select_n3A_458 : vector<8x2048xi1>, vector<8x2048xf32>
    %jit3A_503 = arith.constant 44 : i32
    %broadcast_in_dim3A_504 = vector.broadcast %jit3A_503 : i32 to vector<8x2048xi32>
    %select_n3A_505 = arith.select %lt3A_501, %broadcast_in_dim3A_504, %select_n3A_461 : vector<8x2048xi1>, vector<8x2048xi32>
    %slice3A_506 = vector.extract_strided_slice %dot_general3A_28 {offsets = [360, 0], sizes = [8, 2048], strides = [1, 1]} : vector<512x2048xf32> to vector<8x2048xf32>
    %add3A_507 = vector.broadcast %get3A_20 : vector<1x2048xf32> to vector<8x2048xf32>
    %add3A_508 = arith.addf %add3A_507, %slice3A_506 : vector<8x2048xf32>
    %slice3A_509 = vector.extract_strided_slice %get3A_25 {offsets = [360, 0], sizes = [8, 1], strides = [1, 1]} : vector<512x1xf32> to vector<8x1xf32>
    %add3A_510 = vector.broadcast %slice3A_509 : vector<8x1xf32> to vector<8x2048xf32>
    %add3A_511 = arith.addf %add3A_508, %add3A_510 : vector<8x2048xf32>
    %lt3A_512 = arith.cmpf olt, %add3A_511, %select_n3A_469 : vector<8x2048xf32>
    %select_n3A_513 = arith.select %lt3A_512, %add3A_511, %select_n3A_469 : vector<8x2048xi1>, vector<8x2048xf32>
    %jit3A_514 = arith.constant 45 : i32
    %broadcast_in_dim3A_515 = vector.broadcast %jit3A_514 : i32 to vector<8x2048xi32>
    %select_n3A_516 = arith.select %lt3A_512, %broadcast_in_dim3A_515, %select_n3A_472 : vector<8x2048xi1>, vector<8x2048xi32>
    %slice3A_517 = vector.extract_strided_slice %dot_general3A_28 {offsets = [368, 0], sizes = [8, 2048], strides = [1, 1]} : vector<512x2048xf32> to vector<8x2048xf32>
    %add3A_518 = vector.broadcast %get3A_20 : vector<1x2048xf32> to vector<8x2048xf32>
    %add3A_519 = arith.addf %add3A_518, %slice3A_517 : vector<8x2048xf32>
    %slice3A_520 = vector.extract_strided_slice %get3A_25 {offsets = [368, 0], sizes = [8, 1], strides = [1, 1]} : vector<512x1xf32> to vector<8x1xf32>
    %add3A_521 = vector.broadcast %slice3A_520 : vector<8x1xf32> to vector<8x2048xf32>
    %add3A_522 = arith.addf %add3A_519, %add3A_521 : vector<8x2048xf32>
    %lt3A_523 = arith.cmpf olt, %add3A_522, %select_n3A_480 : vector<8x2048xf32>
    %select_n3A_524 = arith.select %lt3A_523, %add3A_522, %select_n3A_480 : vector<8x2048xi1>, vector<8x2048xf32>
    %jit3A_525 = arith.constant 46 : i32
    %broadcast_in_dim3A_526 = vector.broadcast %jit3A_525 : i32 to vector<8x2048xi32>
    %select_n3A_527 = arith.select %lt3A_523, %broadcast_in_dim3A_526, %select_n3A_483 : vector<8x2048xi1>, vector<8x2048xi32>
    %slice3A_528 = vector.extract_strided_slice %dot_general3A_28 {offsets = [376, 0], sizes = [8, 2048], strides = [1, 1]} : vector<512x2048xf32> to vector<8x2048xf32>
    %add3A_529 = vector.broadcast %get3A_20 : vector<1x2048xf32> to vector<8x2048xf32>
    %add3A_530 = arith.addf %add3A_529, %slice3A_528 : vector<8x2048xf32>
    %slice3A_531 = vector.extract_strided_slice %get3A_25 {offsets = [376, 0], sizes = [8, 1], strides = [1, 1]} : vector<512x1xf32> to vector<8x1xf32>
    %add3A_532 = vector.broadcast %slice3A_531 : vector<8x1xf32> to vector<8x2048xf32>
    %add3A_533 = arith.addf %add3A_530, %add3A_532 : vector<8x2048xf32>
    %lt3A_534 = arith.cmpf olt, %add3A_533, %select_n3A_491 : vector<8x2048xf32>
    %select_n3A_535 = arith.select %lt3A_534, %add3A_533, %select_n3A_491 : vector<8x2048xi1>, vector<8x2048xf32>
    %jit3A_536 = arith.constant 47 : i32
    %broadcast_in_dim3A_537 = vector.broadcast %jit3A_536 : i32 to vector<8x2048xi32>
    %select_n3A_538 = arith.select %lt3A_534, %broadcast_in_dim3A_537, %select_n3A_494 : vector<8x2048xi1>, vector<8x2048xi32>
    %slice3A_539 = vector.extract_strided_slice %dot_general3A_28 {offsets = [384, 0], sizes = [8, 2048], strides = [1, 1]} : vector<512x2048xf32> to vector<8x2048xf32>
    %add3A_540 = vector.broadcast %get3A_20 : vector<1x2048xf32> to vector<8x2048xf32>
    %add3A_541 = arith.addf %add3A_540, %slice3A_539 : vector<8x2048xf32>
    %slice3A_542 = vector.extract_strided_slice %get3A_25 {offsets = [384, 0], sizes = [8, 1], strides = [1, 1]} : vector<512x1xf32> to vector<8x1xf32>
    %add3A_543 = vector.broadcast %slice3A_542 : vector<8x1xf32> to vector<8x2048xf32>
    %add3A_544 = arith.addf %add3A_541, %add3A_543 : vector<8x2048xf32>
    %lt3A_545 = arith.cmpf olt, %add3A_544, %select_n3A_502 : vector<8x2048xf32>
    %select_n3A_546 = arith.select %lt3A_545, %add3A_544, %select_n3A_502 : vector<8x2048xi1>, vector<8x2048xf32>
    %jit3A_547 = arith.constant 48 : i32
    %broadcast_in_dim3A_548 = vector.broadcast %jit3A_547 : i32 to vector<8x2048xi32>
    %select_n3A_549 = arith.select %lt3A_545, %broadcast_in_dim3A_548, %select_n3A_505 : vector<8x2048xi1>, vector<8x2048xi32>
    %slice3A_550 = vector.extract_strided_slice %dot_general3A_28 {offsets = [392, 0], sizes = [8, 2048], strides = [1, 1]} : vector<512x2048xf32> to vector<8x2048xf32>
    %add3A_551 = vector.broadcast %get3A_20 : vector<1x2048xf32> to vector<8x2048xf32>
    %add3A_552 = arith.addf %add3A_551, %slice3A_550 : vector<8x2048xf32>
    %slice3A_553 = vector.extract_strided_slice %get3A_25 {offsets = [392, 0], sizes = [8, 1], strides = [1, 1]} : vector<512x1xf32> to vector<8x1xf32>
    %add3A_554 = vector.broadcast %slice3A_553 : vector<8x1xf32> to vector<8x2048xf32>
    %add3A_555 = arith.addf %add3A_552, %add3A_554 : vector<8x2048xf32>
    %lt3A_556 = arith.cmpf olt, %add3A_555, %select_n3A_513 : vector<8x2048xf32>
    %select_n3A_557 = arith.select %lt3A_556, %add3A_555, %select_n3A_513 : vector<8x2048xi1>, vector<8x2048xf32>
    %jit3A_558 = arith.constant 49 : i32
    %broadcast_in_dim3A_559 = vector.broadcast %jit3A_558 : i32 to vector<8x2048xi32>
    %select_n3A_560 = arith.select %lt3A_556, %broadcast_in_dim3A_559, %select_n3A_516 : vector<8x2048xi1>, vector<8x2048xi32>
    %slice3A_561 = vector.extract_strided_slice %dot_general3A_28 {offsets = [400, 0], sizes = [8, 2048], strides = [1, 1]} : vector<512x2048xf32> to vector<8x2048xf32>
    %add3A_562 = vector.broadcast %get3A_20 : vector<1x2048xf32> to vector<8x2048xf32>
    %add3A_563 = arith.addf %add3A_562, %slice3A_561 : vector<8x2048xf32>
    %slice3A_564 = vector.extract_strided_slice %get3A_25 {offsets = [400, 0], sizes = [8, 1], strides = [1, 1]} : vector<512x1xf32> to vector<8x1xf32>
    %add3A_565 = vector.broadcast %slice3A_564 : vector<8x1xf32> to vector<8x2048xf32>
    %add3A_566 = arith.addf %add3A_563, %add3A_565 : vector<8x2048xf32>
    %lt3A_567 = arith.cmpf olt, %add3A_566, %select_n3A_524 : vector<8x2048xf32>
    %select_n3A_568 = arith.select %lt3A_567, %add3A_566, %select_n3A_524 : vector<8x2048xi1>, vector<8x2048xf32>
    %jit3A_569 = arith.constant 50 : i32
    %broadcast_in_dim3A_570 = vector.broadcast %jit3A_569 : i32 to vector<8x2048xi32>
    %select_n3A_571 = arith.select %lt3A_567, %broadcast_in_dim3A_570, %select_n3A_527 : vector<8x2048xi1>, vector<8x2048xi32>
    %slice3A_572 = vector.extract_strided_slice %dot_general3A_28 {offsets = [408, 0], sizes = [8, 2048], strides = [1, 1]} : vector<512x2048xf32> to vector<8x2048xf32>
    %add3A_573 = vector.broadcast %get3A_20 : vector<1x2048xf32> to vector<8x2048xf32>
    %add3A_574 = arith.addf %add3A_573, %slice3A_572 : vector<8x2048xf32>
    %slice3A_575 = vector.extract_strided_slice %get3A_25 {offsets = [408, 0], sizes = [8, 1], strides = [1, 1]} : vector<512x1xf32> to vector<8x1xf32>
    %add3A_576 = vector.broadcast %slice3A_575 : vector<8x1xf32> to vector<8x2048xf32>
    %add3A_577 = arith.addf %add3A_574, %add3A_576 : vector<8x2048xf32>
    %lt3A_578 = arith.cmpf olt, %add3A_577, %select_n3A_535 : vector<8x2048xf32>
    %select_n3A_579 = arith.select %lt3A_578, %add3A_577, %select_n3A_535 : vector<8x2048xi1>, vector<8x2048xf32>
    %jit3A_580 = arith.constant 51 : i32
    %broadcast_in_dim3A_581 = vector.broadcast %jit3A_580 : i32 to vector<8x2048xi32>
    %select_n3A_582 = arith.select %lt3A_578, %broadcast_in_dim3A_581, %select_n3A_538 : vector<8x2048xi1>, vector<8x2048xi32>
    %slice3A_583 = vector.extract_strided_slice %dot_general3A_28 {offsets = [416, 0], sizes = [8, 2048], strides = [1, 1]} : vector<512x2048xf32> to vector<8x2048xf32>
    %add3A_584 = vector.broadcast %get3A_20 : vector<1x2048xf32> to vector<8x2048xf32>
    %add3A_585 = arith.addf %add3A_584, %slice3A_583 : vector<8x2048xf32>
    %slice3A_586 = vector.extract_strided_slice %get3A_25 {offsets = [416, 0], sizes = [8, 1], strides = [1, 1]} : vector<512x1xf32> to vector<8x1xf32>
    %add3A_587 = vector.broadcast %slice3A_586 : vector<8x1xf32> to vector<8x2048xf32>
    %add3A_588 = arith.addf %add3A_585, %add3A_587 : vector<8x2048xf32>
    %lt3A_589 = arith.cmpf olt, %add3A_588, %select_n3A_546 : vector<8x2048xf32>
    %select_n3A_590 = arith.select %lt3A_589, %add3A_588, %select_n3A_546 : vector<8x2048xi1>, vector<8x2048xf32>
    %jit3A_591 = arith.constant 52 : i32
    %broadcast_in_dim3A_592 = vector.broadcast %jit3A_591 : i32 to vector<8x2048xi32>
    %select_n3A_593 = arith.select %lt3A_589, %broadcast_in_dim3A_592, %select_n3A_549 : vector<8x2048xi1>, vector<8x2048xi32>
    %slice3A_594 = vector.extract_strided_slice %dot_general3A_28 {offsets = [424, 0], sizes = [8, 2048], strides = [1, 1]} : vector<512x2048xf32> to vector<8x2048xf32>
    %add3A_595 = vector.broadcast %get3A_20 : vector<1x2048xf32> to vector<8x2048xf32>
    %add3A_596 = arith.addf %add3A_595, %slice3A_594 : vector<8x2048xf32>
    %slice3A_597 = vector.extract_strided_slice %get3A_25 {offsets = [424, 0], sizes = [8, 1], strides = [1, 1]} : vector<512x1xf32> to vector<8x1xf32>
    %add3A_598 = vector.broadcast %slice3A_597 : vector<8x1xf32> to vector<8x2048xf32>
    %add3A_599 = arith.addf %add3A_596, %add3A_598 : vector<8x2048xf32>
    %lt3A_600 = arith.cmpf olt, %add3A_599, %select_n3A_557 : vector<8x2048xf32>
    %select_n3A_601 = arith.select %lt3A_600, %add3A_599, %select_n3A_557 : vector<8x2048xi1>, vector<8x2048xf32>
    %jit3A_602 = arith.constant 53 : i32
    %broadcast_in_dim3A_603 = vector.broadcast %jit3A_602 : i32 to vector<8x2048xi32>
    %select_n3A_604 = arith.select %lt3A_600, %broadcast_in_dim3A_603, %select_n3A_560 : vector<8x2048xi1>, vector<8x2048xi32>
    %slice3A_605 = vector.extract_strided_slice %dot_general3A_28 {offsets = [432, 0], sizes = [8, 2048], strides = [1, 1]} : vector<512x2048xf32> to vector<8x2048xf32>
    %add3A_606 = vector.broadcast %get3A_20 : vector<1x2048xf32> to vector<8x2048xf32>
    %add3A_607 = arith.addf %add3A_606, %slice3A_605 : vector<8x2048xf32>
    %slice3A_608 = vector.extract_strided_slice %get3A_25 {offsets = [432, 0], sizes = [8, 1], strides = [1, 1]} : vector<512x1xf32> to vector<8x1xf32>
    %add3A_609 = vector.broadcast %slice3A_608 : vector<8x1xf32> to vector<8x2048xf32>
    %add3A_610 = arith.addf %add3A_607, %add3A_609 : vector<8x2048xf32>
    %lt3A_611 = arith.cmpf olt, %add3A_610, %select_n3A_568 : vector<8x2048xf32>
    %select_n3A_612 = arith.select %lt3A_611, %add3A_610, %select_n3A_568 : vector<8x2048xi1>, vector<8x2048xf32>
    %jit3A_613 = arith.constant 54 : i32
    %broadcast_in_dim3A_614 = vector.broadcast %jit3A_613 : i32 to vector<8x2048xi32>
    %select_n3A_615 = arith.select %lt3A_611, %broadcast_in_dim3A_614, %select_n3A_571 : vector<8x2048xi1>, vector<8x2048xi32>
    %slice3A_616 = vector.extract_strided_slice %dot_general3A_28 {offsets = [440, 0], sizes = [8, 2048], strides = [1, 1]} : vector<512x2048xf32> to vector<8x2048xf32>
    %add3A_617 = vector.broadcast %get3A_20 : vector<1x2048xf32> to vector<8x2048xf32>
    %add3A_618 = arith.addf %add3A_617, %slice3A_616 : vector<8x2048xf32>
    %slice3A_619 = vector.extract_strided_slice %get3A_25 {offsets = [440, 0], sizes = [8, 1], strides = [1, 1]} : vector<512x1xf32> to vector<8x1xf32>
    %add3A_620 = vector.broadcast %slice3A_619 : vector<8x1xf32> to vector<8x2048xf32>
    %add3A_621 = arith.addf %add3A_618, %add3A_620 : vector<8x2048xf32>
    %lt3A_622 = arith.cmpf olt, %add3A_621, %select_n3A_579 : vector<8x2048xf32>
    %select_n3A_623 = arith.select %lt3A_622, %add3A_621, %select_n3A_579 : vector<8x2048xi1>, vector<8x2048xf32>
    %jit3A_624 = arith.constant 55 : i32
    %broadcast_in_dim3A_625 = vector.broadcast %jit3A_624 : i32 to vector<8x2048xi32>
    %select_n3A_626 = arith.select %lt3A_622, %broadcast_in_dim3A_625, %select_n3A_582 : vector<8x2048xi1>, vector<8x2048xi32>
    %slice3A_627 = vector.extract_strided_slice %dot_general3A_28 {offsets = [448, 0], sizes = [8, 2048], strides = [1, 1]} : vector<512x2048xf32> to vector<8x2048xf32>
    %add3A_628 = vector.broadcast %get3A_20 : vector<1x2048xf32> to vector<8x2048xf32>
    %add3A_629 = arith.addf %add3A_628, %slice3A_627 : vector<8x2048xf32>
    %slice3A_630 = vector.extract_strided_slice %get3A_25 {offsets = [448, 0], sizes = [8, 1], strides = [1, 1]} : vector<512x1xf32> to vector<8x1xf32>
    %add3A_631 = vector.broadcast %slice3A_630 : vector<8x1xf32> to vector<8x2048xf32>
    %add3A_632 = arith.addf %add3A_629, %add3A_631 : vector<8x2048xf32>
    %lt3A_633 = arith.cmpf olt, %add3A_632, %select_n3A_590 : vector<8x2048xf32>
    %select_n3A_634 = arith.select %lt3A_633, %add3A_632, %select_n3A_590 : vector<8x2048xi1>, vector<8x2048xf32>
    %jit3A_635 = arith.constant 56 : i32
    %broadcast_in_dim3A_636 = vector.broadcast %jit3A_635 : i32 to vector<8x2048xi32>
    %select_n3A_637 = arith.select %lt3A_633, %broadcast_in_dim3A_636, %select_n3A_593 : vector<8x2048xi1>, vector<8x2048xi32>
    %slice3A_638 = vector.extract_strided_slice %dot_general3A_28 {offsets = [456, 0], sizes = [8, 2048], strides = [1, 1]} : vector<512x2048xf32> to vector<8x2048xf32>
    %add3A_639 = vector.broadcast %get3A_20 : vector<1x2048xf32> to vector<8x2048xf32>
    %add3A_640 = arith.addf %add3A_639, %slice3A_638 : vector<8x2048xf32>
    %slice3A_641 = vector.extract_strided_slice %get3A_25 {offsets = [456, 0], sizes = [8, 1], strides = [1, 1]} : vector<512x1xf32> to vector<8x1xf32>
    %add3A_642 = vector.broadcast %slice3A_641 : vector<8x1xf32> to vector<8x2048xf32>
    %add3A_643 = arith.addf %add3A_640, %add3A_642 : vector<8x2048xf32>
    %lt3A_644 = arith.cmpf olt, %add3A_643, %select_n3A_601 : vector<8x2048xf32>
    %select_n3A_645 = arith.select %lt3A_644, %add3A_643, %select_n3A_601 : vector<8x2048xi1>, vector<8x2048xf32>
    %jit3A_646 = arith.constant 57 : i32
    %broadcast_in_dim3A_647 = vector.broadcast %jit3A_646 : i32 to vector<8x2048xi32>
    %select_n3A_648 = arith.select %lt3A_644, %broadcast_in_dim3A_647, %select_n3A_604 : vector<8x2048xi1>, vector<8x2048xi32>
    %slice3A_649 = vector.extract_strided_slice %dot_general3A_28 {offsets = [464, 0], sizes = [8, 2048], strides = [1, 1]} : vector<512x2048xf32> to vector<8x2048xf32>
    %add3A_650 = vector.broadcast %get3A_20 : vector<1x2048xf32> to vector<8x2048xf32>
    %add3A_651 = arith.addf %add3A_650, %slice3A_649 : vector<8x2048xf32>
    %slice3A_652 = vector.extract_strided_slice %get3A_25 {offsets = [464, 0], sizes = [8, 1], strides = [1, 1]} : vector<512x1xf32> to vector<8x1xf32>
    %add3A_653 = vector.broadcast %slice3A_652 : vector<8x1xf32> to vector<8x2048xf32>
    %add3A_654 = arith.addf %add3A_651, %add3A_653 : vector<8x2048xf32>
    %lt3A_655 = arith.cmpf olt, %add3A_654, %select_n3A_612 : vector<8x2048xf32>
    %select_n3A_656 = arith.select %lt3A_655, %add3A_654, %select_n3A_612 : vector<8x2048xi1>, vector<8x2048xf32>
    %jit3A_657 = arith.constant 58 : i32
    %broadcast_in_dim3A_658 = vector.broadcast %jit3A_657 : i32 to vector<8x2048xi32>
    %select_n3A_659 = arith.select %lt3A_655, %broadcast_in_dim3A_658, %select_n3A_615 : vector<8x2048xi1>, vector<8x2048xi32>
    %slice3A_660 = vector.extract_strided_slice %dot_general3A_28 {offsets = [472, 0], sizes = [8, 2048], strides = [1, 1]} : vector<512x2048xf32> to vector<8x2048xf32>
    %add3A_661 = vector.broadcast %get3A_20 : vector<1x2048xf32> to vector<8x2048xf32>
    %add3A_662 = arith.addf %add3A_661, %slice3A_660 : vector<8x2048xf32>
    %slice3A_663 = vector.extract_strided_slice %get3A_25 {offsets = [472, 0], sizes = [8, 1], strides = [1, 1]} : vector<512x1xf32> to vector<8x1xf32>
    %add3A_664 = vector.broadcast %slice3A_663 : vector<8x1xf32> to vector<8x2048xf32>
    %add3A_665 = arith.addf %add3A_662, %add3A_664 : vector<8x2048xf32>
    %lt3A_666 = arith.cmpf olt, %add3A_665, %select_n3A_623 : vector<8x2048xf32>
    %select_n3A_667 = arith.select %lt3A_666, %add3A_665, %select_n3A_623 : vector<8x2048xi1>, vector<8x2048xf32>
    %jit3A_668 = arith.constant 59 : i32
    %broadcast_in_dim3A_669 = vector.broadcast %jit3A_668 : i32 to vector<8x2048xi32>
    %select_n3A_670 = arith.select %lt3A_666, %broadcast_in_dim3A_669, %select_n3A_626 : vector<8x2048xi1>, vector<8x2048xi32>
    %slice3A_671 = vector.extract_strided_slice %dot_general3A_28 {offsets = [480, 0], sizes = [8, 2048], strides = [1, 1]} : vector<512x2048xf32> to vector<8x2048xf32>
    %add3A_672 = vector.broadcast %get3A_20 : vector<1x2048xf32> to vector<8x2048xf32>
    %add3A_673 = arith.addf %add3A_672, %slice3A_671 : vector<8x2048xf32>
    %slice3A_674 = vector.extract_strided_slice %get3A_25 {offsets = [480, 0], sizes = [8, 1], strides = [1, 1]} : vector<512x1xf32> to vector<8x1xf32>
    %add3A_675 = vector.broadcast %slice3A_674 : vector<8x1xf32> to vector<8x2048xf32>
    %add3A_676 = arith.addf %add3A_673, %add3A_675 : vector<8x2048xf32>
    %lt3A_677 = arith.cmpf olt, %add3A_676, %select_n3A_634 : vector<8x2048xf32>
    %select_n3A_678 = arith.select %lt3A_677, %add3A_676, %select_n3A_634 : vector<8x2048xi1>, vector<8x2048xf32>
    %jit3A_679 = arith.constant 60 : i32
    %broadcast_in_dim3A_680 = vector.broadcast %jit3A_679 : i32 to vector<8x2048xi32>
    %select_n3A_681 = arith.select %lt3A_677, %broadcast_in_dim3A_680, %select_n3A_637 : vector<8x2048xi1>, vector<8x2048xi32>
    %slice3A_682 = vector.extract_strided_slice %dot_general3A_28 {offsets = [488, 0], sizes = [8, 2048], strides = [1, 1]} : vector<512x2048xf32> to vector<8x2048xf32>
    %add3A_683 = vector.broadcast %get3A_20 : vector<1x2048xf32> to vector<8x2048xf32>
    %add3A_684 = arith.addf %add3A_683, %slice3A_682 : vector<8x2048xf32>
    %slice3A_685 = vector.extract_strided_slice %get3A_25 {offsets = [488, 0], sizes = [8, 1], strides = [1, 1]} : vector<512x1xf32> to vector<8x1xf32>
    %add3A_686 = vector.broadcast %slice3A_685 : vector<8x1xf32> to vector<8x2048xf32>
    %add3A_687 = arith.addf %add3A_684, %add3A_686 : vector<8x2048xf32>
    %lt3A_688 = arith.cmpf olt, %add3A_687, %select_n3A_645 : vector<8x2048xf32>
    %select_n3A_689 = arith.select %lt3A_688, %add3A_687, %select_n3A_645 : vector<8x2048xi1>, vector<8x2048xf32>
    %jit3A_690 = arith.constant 61 : i32
    %broadcast_in_dim3A_691 = vector.broadcast %jit3A_690 : i32 to vector<8x2048xi32>
    %select_n3A_692 = arith.select %lt3A_688, %broadcast_in_dim3A_691, %select_n3A_648 : vector<8x2048xi1>, vector<8x2048xi32>
    %slice3A_693 = vector.extract_strided_slice %dot_general3A_28 {offsets = [496, 0], sizes = [8, 2048], strides = [1, 1]} : vector<512x2048xf32> to vector<8x2048xf32>
    %add3A_694 = vector.broadcast %get3A_20 : vector<1x2048xf32> to vector<8x2048xf32>
    %add3A_695 = arith.addf %add3A_694, %slice3A_693 : vector<8x2048xf32>
    %slice3A_696 = vector.extract_strided_slice %get3A_25 {offsets = [496, 0], sizes = [8, 1], strides = [1, 1]} : vector<512x1xf32> to vector<8x1xf32>
    %add3A_697 = vector.broadcast %slice3A_696 : vector<8x1xf32> to vector<8x2048xf32>
    %add3A_698 = arith.addf %add3A_695, %add3A_697 : vector<8x2048xf32>
    %lt3A_699 = arith.cmpf olt, %add3A_698, %select_n3A_656 : vector<8x2048xf32>
    %select_n3A_700 = arith.select %lt3A_699, %add3A_698, %select_n3A_656 : vector<8x2048xi1>, vector<8x2048xf32>
    %jit3A_701 = arith.constant 62 : i32
    %broadcast_in_dim3A_702 = vector.broadcast %jit3A_701 : i32 to vector<8x2048xi32>
    %select_n3A_703 = arith.select %lt3A_699, %broadcast_in_dim3A_702, %select_n3A_659 : vector<8x2048xi1>, vector<8x2048xi32>
    %slice3A_704 = vector.extract_strided_slice %dot_general3A_28 {offsets = [504, 0], sizes = [8, 2048], strides = [1, 1]} : vector<512x2048xf32> to vector<8x2048xf32>
    %add3A_705 = vector.broadcast %get3A_20 : vector<1x2048xf32> to vector<8x2048xf32>
    %add3A_706 = arith.addf %add3A_705, %slice3A_704 : vector<8x2048xf32>
    %slice3A_707 = vector.extract_strided_slice %get3A_25 {offsets = [504, 0], sizes = [8, 1], strides = [1, 1]} : vector<512x1xf32> to vector<8x1xf32>
    %add3A_708 = vector.broadcast %slice3A_707 : vector<8x1xf32> to vector<8x2048xf32>
    %add3A_709 = arith.addf %add3A_706, %add3A_708 : vector<8x2048xf32>
    %lt3A_710 = arith.cmpf olt, %add3A_709, %select_n3A_667 : vector<8x2048xf32>
    %select_n3A_711 = arith.select %lt3A_710, %add3A_709, %select_n3A_667 : vector<8x2048xi1>, vector<8x2048xf32>
    %jit3A_712 = arith.constant 63 : i32
    %broadcast_in_dim3A_713 = vector.broadcast %jit3A_712 : i32 to vector<8x2048xi32>
    %select_n3A_714 = arith.select %lt3A_710, %broadcast_in_dim3A_713, %select_n3A_670 : vector<8x2048xi1>, vector<8x2048xi32>
    %iota3A = tpu.iota {dimensions = array<i32: 0>} : vector<8x2048xi32>
    %concatenate3A = tpu.concatenate %select_n3A_678, %select_n3A_689, %select_n3A_700, %select_n3A_711 in 0 : vector<8x2048xf32>, vector<8x2048xf32>, vector<8x2048xf32>, vector<8x2048xf32> -> vector<32x2048xf32>
    %mul3A_715 = arith.constant 8 : i32
    %mul3A_716 = vector.broadcast %mul3A_715 : i32 to vector<8x2048xi32>
    %mul3A_717 = arith.muli %select_n3A_681, %mul3A_716 : vector<8x2048xi32>
    %add3A_718 = arith.addi %mul3A_717, %iota3A : vector<8x2048xi32>
    %mul3A_719 = arith.constant 8 : i32
    %mul3A_720 = vector.broadcast %mul3A_719 : i32 to vector<8x2048xi32>
    %mul3A_721 = arith.muli %select_n3A_692, %mul3A_720 : vector<8x2048xi32>
    %add3A_722 = arith.addi %mul3A_721, %iota3A : vector<8x2048xi32>
    %mul3A_723 = arith.constant 8 : i32
    %mul3A_724 = vector.broadcast %mul3A_723 : i32 to vector<8x2048xi32>
    %mul3A_725 = arith.muli %select_n3A_703, %mul3A_724 : vector<8x2048xi32>
    %add3A_726 = arith.addi %mul3A_725, %iota3A : vector<8x2048xi32>
    %mul3A_727 = arith.constant 8 : i32
    %mul3A_728 = vector.broadcast %mul3A_727 : i32 to vector<8x2048xi32>
    %mul3A_729 = arith.muli %select_n3A_714, %mul3A_728 : vector<8x2048xi32>
    %add3A_730 = arith.addi %mul3A_729, %iota3A : vector<8x2048xi32>
    %concatenate3A_731 = tpu.concatenate %add3A_718, %add3A_722, %add3A_726, %add3A_730 in 0 : vector<8x2048xi32>, vector<8x2048xi32>, vector<8x2048xi32>, vector<8x2048xi32> -> vector<32x2048xi32>
    %slice3A_732 = vector.extract_strided_slice %concatenate3A {offsets = [0, 0], sizes = [16, 2048], strides = [1, 1]} : vector<32x2048xf32> to vector<16x2048xf32>
    %slice3A_733 = vector.extract_strided_slice %concatenate3A {offsets = [16, 0], sizes = [16, 2048], strides = [1, 1]} : vector<32x2048xf32> to vector<16x2048xf32>
    %slice3A_734 = vector.extract_strided_slice %concatenate3A_731 {offsets = [0, 0], sizes = [16, 2048], strides = [1, 1]} : vector<32x2048xi32> to vector<16x2048xi32>
    %slice3A_735 = vector.extract_strided_slice %concatenate3A_731 {offsets = [16, 0], sizes = [16, 2048], strides = [1, 1]} : vector<32x2048xi32> to vector<16x2048xi32>
    %lt3A_736 = arith.cmpf olt, %slice3A_733, %slice3A_732 : vector<16x2048xf32>
    %eq3A = arith.cmpf oeq, %slice3A_733, %slice3A_732 : vector<16x2048xf32>
    %lt3A_737 = arith.cmpi slt, %slice3A_735, %slice3A_734 : vector<16x2048xi32>
    %and3A = arith.andi %eq3A, %lt3A_737 : vector<16x2048xi1>
    %or3A = arith.ori %lt3A_736, %and3A : vector<16x2048xi1>
    %select_n3A_738 = arith.select %or3A, %slice3A_733, %slice3A_732 : vector<16x2048xi1>, vector<16x2048xf32>
    %select_n3A_739 = arith.select %or3A, %slice3A_735, %slice3A_734 : vector<16x2048xi1>, vector<16x2048xi32>
    %slice3A_740 = vector.extract_strided_slice %select_n3A_738 {offsets = [0, 0], sizes = [8, 2048], strides = [1, 1]} : vector<16x2048xf32> to vector<8x2048xf32>
    %slice3A_741 = vector.extract_strided_slice %select_n3A_738 {offsets = [8, 0], sizes = [8, 2048], strides = [1, 1]} : vector<16x2048xf32> to vector<8x2048xf32>
    %slice3A_742 = vector.extract_strided_slice %select_n3A_739 {offsets = [0, 0], sizes = [8, 2048], strides = [1, 1]} : vector<16x2048xi32> to vector<8x2048xi32>
    %slice3A_743 = vector.extract_strided_slice %select_n3A_739 {offsets = [8, 0], sizes = [8, 2048], strides = [1, 1]} : vector<16x2048xi32> to vector<8x2048xi32>
    %lt3A_744 = arith.cmpf olt, %slice3A_741, %slice3A_740 : vector<8x2048xf32>
    %eq3A_745 = arith.cmpf oeq, %slice3A_741, %slice3A_740 : vector<8x2048xf32>
    %lt3A_746 = arith.cmpi slt, %slice3A_743, %slice3A_742 : vector<8x2048xi32>
    %and3A_747 = arith.andi %eq3A_745, %lt3A_746 : vector<8x2048xi1>
    %or3A_748 = arith.ori %lt3A_744, %and3A_747 : vector<8x2048xi1>
    %select_n3A_749 = arith.select %or3A_748, %slice3A_741, %slice3A_740 : vector<8x2048xi1>, vector<8x2048xf32>
    %select_n3A_750 = arith.select %or3A_748, %slice3A_743, %slice3A_742 : vector<8x2048xi1>, vector<8x2048xi32>
    %slice3A_751 = vector.extract_strided_slice %select_n3A_749 {offsets = [0, 0], sizes = [4, 2048], strides = [1, 1]} : vector<8x2048xf32> to vector<4x2048xf32>
    %slice3A_752 = vector.extract_strided_slice %select_n3A_749 {offsets = [4, 0], sizes = [4, 2048], strides = [1, 1]} : vector<8x2048xf32> to vector<4x2048xf32>
    %slice3A_753 = vector.extract_strided_slice %select_n3A_750 {offsets = [0, 0], sizes = [4, 2048], strides = [1, 1]} : vector<8x2048xi32> to vector<4x2048xi32>
    %slice3A_754 = vector.extract_strided_slice %select_n3A_750 {offsets = [4, 0], sizes = [4, 2048], strides = [1, 1]} : vector<8x2048xi32> to vector<4x2048xi32>
    %lt3A_755 = arith.cmpf olt, %slice3A_752, %slice3A_751 : vector<4x2048xf32>
    %eq3A_756 = arith.cmpf oeq, %slice3A_752, %slice3A_751 : vector<4x2048xf32>
    %lt3A_757 = arith.cmpi slt, %slice3A_754, %slice3A_753 : vector<4x2048xi32>
    %and3A_758 = arith.andi %eq3A_756, %lt3A_757 : vector<4x2048xi1>
    %or3A_759 = arith.ori %lt3A_755, %and3A_758 : vector<4x2048xi1>
    %select_n3A_760 = arith.select %or3A_759, %slice3A_752, %slice3A_751 : vector<4x2048xi1>, vector<4x2048xf32>
    %select_n3A_761 = arith.select %or3A_759, %slice3A_754, %slice3A_753 : vector<4x2048xi1>, vector<4x2048xi32>
    %slice3A_762 = vector.extract_strided_slice %select_n3A_760 {offsets = [0, 0], sizes = [2, 2048], strides = [1, 1]} : vector<4x2048xf32> to vector<2x2048xf32>
    %slice3A_763 = vector.extract_strided_slice %select_n3A_760 {offsets = [2, 0], sizes = [2, 2048], strides = [1, 1]} : vector<4x2048xf32> to vector<2x2048xf32>
    %slice3A_764 = vector.extract_strided_slice %select_n3A_761 {offsets = [0, 0], sizes = [2, 2048], strides = [1, 1]} : vector<4x2048xi32> to vector<2x2048xi32>
    %slice3A_765 = vector.extract_strided_slice %select_n3A_761 {offsets = [2, 0], sizes = [2, 2048], strides = [1, 1]} : vector<4x2048xi32> to vector<2x2048xi32>
    %lt3A_766 = arith.cmpf olt, %slice3A_763, %slice3A_762 : vector<2x2048xf32>
    %eq3A_767 = arith.cmpf oeq, %slice3A_763, %slice3A_762 : vector<2x2048xf32>
    %lt3A_768 = arith.cmpi slt, %slice3A_765, %slice3A_764 : vector<2x2048xi32>
    %and3A_769 = arith.andi %eq3A_767, %lt3A_768 : vector<2x2048xi1>
    %or3A_770 = arith.ori %lt3A_766, %and3A_769 : vector<2x2048xi1>
    %select_n3A_771 = arith.select %or3A_770, %slice3A_763, %slice3A_762 : vector<2x2048xi1>, vector<2x2048xf32>
    %select_n3A_772 = arith.select %or3A_770, %slice3A_765, %slice3A_764 : vector<2x2048xi1>, vector<2x2048xi32>
    %slice3A_773 = vector.extract_strided_slice %select_n3A_771 {offsets = [0, 0], sizes = [1, 2048], strides = [1, 1]} : vector<2x2048xf32> to vector<1x2048xf32>
    %slice3A_774 = vector.extract_strided_slice %select_n3A_771 {offsets = [1, 0], sizes = [1, 2048], strides = [1, 1]} : vector<2x2048xf32> to vector<1x2048xf32>
    %slice3A_775 = vector.extract_strided_slice %select_n3A_772 {offsets = [0, 0], sizes = [1, 2048], strides = [1, 1]} : vector<2x2048xi32> to vector<1x2048xi32>
    %slice3A_776 = vector.extract_strided_slice %select_n3A_772 {offsets = [1, 0], sizes = [1, 2048], strides = [1, 1]} : vector<2x2048xi32> to vector<1x2048xi32>
    %lt3A_777 = arith.cmpf olt, %slice3A_774, %slice3A_773 : vector<1x2048xf32>
    %eq3A_778 = arith.cmpf oeq, %slice3A_774, %slice3A_773 : vector<1x2048xf32>
    %lt3A_779 = arith.cmpi slt, %slice3A_776, %slice3A_775 : vector<1x2048xi32>
    %and3A_780 = arith.andi %eq3A_778, %lt3A_779 : vector<1x2048xi1>
    %or3A_781 = arith.ori %lt3A_777, %and3A_780 : vector<1x2048xi1>
    %select_n3A_782 = arith.select %or3A_781, %slice3A_774, %slice3A_773 : vector<1x2048xi1>, vector<1x2048xf32>
    %select_n3A_783 = arith.select %or3A_781, %slice3A_776, %slice3A_775 : vector<1x2048xi1>, vector<1x2048xi32>
    %squeeze3A = vector.shape_cast %select_n3A_782 : vector<1x2048xf32> to vector<2048xf32>
    %squeeze3A_784 = vector.shape_cast %select_n3A_783 : vector<1x2048xi32> to vector<2048xi32>
    %max3A = arith.constant 0.000000e+00 : f32
    %max3A_785 = vector.broadcast %max3A : f32 to vector<2048xf32>
    %max3A_786 = arith.maximumf %squeeze3A, %max3A_785 : vector<2048xf32>
    %swap3A = arith.constant 0 : index
    %swap3A_787 = arith.constant 0 : index
    %swap3A_788 = arith.constant 0 : index
    %swap3A_789 = vector.load %arg8[%swap3A, %swap3A_787, %swap3A_788] : memref<1x1x2048xi32, #tpu.memory_space<vmem>>, vector<1x1x2048xi32>
    %swap3A_790 = vector.shape_cast %swap3A_789 : vector<1x1x2048xi32> to vector<2048xi32>
    %swap3A_791 = vector.shape_cast %squeeze3A_784 : vector<2048xi32> to vector<1x1x2048xi32>
    tpu.vector_store %arg8[%swap3A, %swap3A_787, %swap3A_788], %swap3A_791 {strides = array<i32>} : memref<1x1x2048xi32, #tpu.memory_space<vmem>>, vector<1x1x2048xi32>,
    %swap3A_792 = arith.constant 0 : index
    %swap3A_793 = arith.constant 0 : index
    %swap3A_794 = arith.constant 0 : index
    %swap3A_795 = vector.load %arg9[%swap3A_792, %swap3A_793, %swap3A_794] : memref<1x1x2048xf32, #tpu.memory_space<vmem>>, vector<1x1x2048xf32>
    %swap3A_796 = vector.shape_cast %swap3A_795 : vector<1x1x2048xf32> to vector<2048xf32>
    %swap3A_797 = vector.shape_cast %max3A_786 : vector<2048xf32> to vector<1x1x2048xf32>
    tpu.vector_store %arg9[%swap3A_792, %swap3A_793, %swap3A_794], %swap3A_797 {strides = array<i32>} : memref<1x1x2048xf32, #tpu.memory_space<vmem>>, vector<1x1x2048xf32>,
    %squeeze3A_798 = vector.shape_cast %get3A_20 : vector<1x2048xf32> to vector<2048xf32>
    %sqrt3A = math.sqrt %squeeze3A_798 : vector<2048xf32>
    %max3A_799 = arith.constant 0.00999999977 : f32
    %max3A_800 = vector.broadcast %max3A_799 : f32 to vector<2048xf32>
    %max3A_801 = arith.maximumf %sqrt3A, %max3A_800 : vector<2048xf32>
    %sqrt3A_802 = math.sqrt %max3A_786 : vector<2048xf32>
    %div3A = arith.divf %sqrt3A_802, %max3A_801 : vector<2048xf32>
    %jit3A_803 = arith.constant 0.000000e+00 : f32
    %jit3A_804 = arith.constant 1.000000e+01 : f32
    %max3A_805 = vector.broadcast %jit3A_803 : f32 to vector<2048xf32>
    %max3A_806 = arith.maximumf %max3A_805, %div3A : vector<2048xf32>
    %min3A = vector.broadcast %jit3A_804 : f32 to vector<2048xf32>
    %min3A_807 = arith.minimumf %min3A, %max3A_806 : vector<2048xf32>
    %iota3A_808 = tpu.iota {dimensions = array<i32: 1>} : vector<1x128xi32>
    %eq3A_809 = arith.constant 0 : i32
    %eq3A_810 = vector.broadcast %eq3A_809 : i32 to vector<1x128xi32>
    %eq3A_811 = arith.cmpi eq, %iota3A_808, %eq3A_810 : vector<1x128xi32>
    %mul3A_812 = arith.mulf %get3A_15, %max3A_786 : vector<2048xf32>
    %reduce_sum3A = vector.shape_cast %mul3A_812 : vector<2048xf32> to vector<1x2048xf32>
    %reduce_sum3A_813 = arith.constant dense<0.000000e+00> : vector<1xf32>
    %reduce_sum3A_814 = vector.multi_reduction <add>, %reduce_sum3A, %reduce_sum3A_813 [1] : vector<1x2048xf32> to vector<1xf32>
    %reduce_sum3A_815 = vector.shape_cast %reduce_sum3A_814 : vector<1xf32> to vector<1x1xf32>
    %reduce_sum3A_816 = vector.extract %reduce_sum3A_815[0, 0] : f32 from vector<1x1xf32>
    %jit3A_817 = arith.constant 0.000000e+00 : f32
    %broadcast_in_dim3A_818 = vector.broadcast %reduce_sum3A_816 : f32 to vector<1x128xf32>
    %broadcast_in_dim3A_819 = vector.broadcast %jit3A_817 : f32 to vector<1x128xf32>
    %select_n3A_820 = arith.select %eq3A_811, %broadcast_in_dim3A_818, %broadcast_in_dim3A_819 : vector<1x128xi1>, vector<1x128xf32>
    %eq3A_821 = arith.constant 1 : i32
    %eq3A_822 = vector.broadcast %eq3A_821 : i32 to vector<1x128xi32>
    %eq3A_823 = arith.cmpi eq, %iota3A_808, %eq3A_822 : vector<1x128xi32>
    %reduce_sum3A_824 = vector.shape_cast %max3A_801 : vector<2048xf32> to vector<1x2048xf32>
    %reduce_sum3A_825 = arith.constant dense<0.000000e+00> : vector<1xf32>
    %reduce_sum3A_826 = vector.multi_reduction <add>, %reduce_sum3A_824, %reduce_sum3A_825 [1] : vector<1x2048xf32> to vector<1xf32>
    %reduce_sum3A_827 = vector.shape_cast %reduce_sum3A_826 : vector<1xf32> to vector<1x1xf32>
    %reduce_sum3A_828 = vector.extract %reduce_sum3A_827[0, 0] : f32 from vector<1x1xf32>
    %jit3A_829 = arith.constant 0.000000e+00 : f32
    %broadcast_in_dim3A_830 = vector.broadcast %reduce_sum3A_828 : f32 to vector<1x128xf32>
    %broadcast_in_dim3A_831 = vector.broadcast %jit3A_829 : f32 to vector<1x128xf32>
    %select_n3A_832 = arith.select %eq3A_823, %broadcast_in_dim3A_830, %broadcast_in_dim3A_831 : vector<1x128xi1>, vector<1x128xf32>
    %add3A_833 = arith.addf %select_n3A_820, %select_n3A_832 : vector<1x128xf32>
    %eq3A_834 = arith.constant 3 : i32
    %eq3A_835 = vector.broadcast %eq3A_834 : i32 to vector<1x128xi32>
    %eq3A_836 = arith.cmpi eq, %iota3A_808, %eq3A_835 : vector<1x128xi32>
    %reduce_sum3A_837 = vector.shape_cast %min3A_807 : vector<2048xf32> to vector<1x2048xf32>
    %reduce_sum3A_838 = arith.constant dense<0.000000e+00> : vector<1xf32>
    %reduce_sum3A_839 = vector.multi_reduction <add>, %reduce_sum3A_837, %reduce_sum3A_838 [1] : vector<1x2048xf32> to vector<1xf32>
    %reduce_sum3A_840 = vector.shape_cast %reduce_sum3A_839 : vector<1xf32> to vector<1x1xf32>
    %reduce_sum3A_841 = vector.extract %reduce_sum3A_840[0, 0] : f32 from vector<1x1xf32>
    %jit3A_842 = arith.constant 0.000000e+00 : f32
    %broadcast_in_dim3A_843 = vector.broadcast %reduce_sum3A_841 : f32 to vector<1x128xf32>
    %broadcast_in_dim3A_844 = vector.broadcast %jit3A_842 : f32 to vector<1x128xf32>
    %select_n3A_845 = arith.select %eq3A_836, %broadcast_in_dim3A_843, %broadcast_in_dim3A_844 : vector<1x128xi1>, vector<1x128xf32>
    %add3A_846 = arith.addf %add3A_833, %select_n3A_845 : vector<1x128xf32>
    %eq3A_847 = arith.constant 4 : i32
    %eq3A_848 = vector.broadcast %eq3A_847 : i32 to vector<1x128xi32>
    %eq3A_849 = arith.cmpi eq, %iota3A_808, %eq3A_848 : vector<1x128xi32>
    %reduce_min3A = vector.shape_cast %min3A_807 : vector<2048xf32> to vector<1x2048xf32>
    %reduce_min3A_850 = arith.constant dense<0x7F800000> : vector<1xf32>
    %reduce_min3A_851 = vector.multi_reduction <minimumf>, %reduce_min3A, %reduce_min3A_850 [1] : vector<1x2048xf32> to vector<1xf32>
    %reduce_min3A_852 = vector.shape_cast %reduce_min3A_851 : vector<1xf32> to vector<1x1xf32>
    %reduce_min3A_853 = vector.extract %reduce_min3A_852[0, 0] : f32 from vector<1x1xf32>
    %jit3A_854 = arith.constant 0.000000e+00 : f32
    %broadcast_in_dim3A_855 = vector.broadcast %reduce_min3A_853 : f32 to vector<1x128xf32>
    %broadcast_in_dim3A_856 = vector.broadcast %jit3A_854 : f32 to vector<1x128xf32>
    %select_n3A_857 = arith.select %eq3A_849, %broadcast_in_dim3A_855, %broadcast_in_dim3A_856 : vector<1x128xi1>, vector<1x128xf32>
    %add3A_858 = arith.addf %add3A_846, %select_n3A_857 : vector<1x128xf32>
    %eq3A_859 = arith.constant 5 : i32
    %eq3A_860 = vector.broadcast %eq3A_859 : i32 to vector<1x128xi32>
    %eq3A_861 = arith.cmpi eq, %iota3A_808, %eq3A_860 : vector<1x128xi32>
    %reduce_max3A = vector.shape_cast %min3A_807 : vector<2048xf32> to vector<1x2048xf32>
    %reduce_max3A_862 = arith.constant dense<0xFF800000> : vector<1xf32>
    %reduce_max3A_863 = vector.multi_reduction <maximumf>, %reduce_max3A, %reduce_max3A_862 [1] : vector<1x2048xf32> to vector<1xf32>
    %reduce_max3A_864 = vector.shape_cast %reduce_max3A_863 : vector<1xf32> to vector<1x1xf32>
    %reduce_max3A_865 = vector.extract %reduce_max3A_864[0, 0] : f32 from vector<1x1xf32>
    %jit3A_866 = arith.constant 0.000000e+00 : f32
    %broadcast_in_dim3A_867 = vector.broadcast %reduce_max3A_865 : f32 to vector<1x128xf32>
    %broadcast_in_dim3A_868 = vector.broadcast %jit3A_866 : f32 to vector<1x128xf32>
    %select_n3A_869 = arith.select %eq3A_861, %broadcast_in_dim3A_867, %broadcast_in_dim3A_868 : vector<1x128xi1>, vector<1x128xf32>
    %add3A_870 = arith.addf %add3A_858, %select_n3A_869 : vector<1x128xf32>
    %swap3A_871 = arith.constant 0 : index
    %swap3A_872 = arith.constant 0 : index
    %swap3A_873 = arith.constant 0 : index
    %swap3A_874 = vector.load %arg10[%swap3A_871, %swap3A_872, %swap3A_873] : memref<1x1x128xf32, #tpu.memory_space<vmem>>, vector<1x1x128xf32>
    %swap3A_875 = vector.shape_cast %swap3A_874 : vector<1x1x128xf32> to vector<1x128xf32>
    %swap3A_876 = vector.shape_cast %add3A_870 : vector<1x128xf32> to vector<1x1x128xf32>
    tpu.vector_store %arg10[%swap3A_871, %swap3A_872, %swap3A_873], %swap3A_876 {strides = array<i32>} : memref<1x1x128xf32, #tpu.memory_space<vmem>>, vector<1x1x128xf32>,
    return
  }
  func.func @transform_0(%arg0: i32, %arg1: i32, %arg2: i32) -> (i32, i32, i32, i32) {
    %c0_i32 = arith.constant 0 : i32
    %c0_i32_0 = arith.constant 0 : i32
    %c0_i32_1 = arith.constant 0 : i32
    return %arg0, %arg2, %c0_i32, %c0_i32_0 : i32, i32, i32, i32
  }
  func.func @transform_1(%arg0: i32, %arg1: i32, %arg2: i32) -> (i32, i32, i32, i32) {
    %c0_i32 = arith.constant 0 : i32
    %c0_i32_0 = arith.constant 0 : i32
    return %arg0, %arg1, %arg2, %c0_i32 : i32, i32, i32, i32
  }
  func.func @transform_2(%arg0: i32, %arg1: i32, %arg2: i32) -> (i32, i32, i32) {
    %c0_i32 = arith.constant 0 : i32
    %c0_i32_0 = arith.constant 0 : i32
    %c0_i32_1 = arith.constant 0 : i32
    return %arg1, %c0_i32, %c0_i32_0 : i32, i32, i32
  }
  func.func @transform_3(%arg0: i32, %arg1: i32, %arg2: i32) -> (i32, i32, i32) {
    %mul3A = arith.constant 8 : i32
    %mul3A_0 = arith.muli %arg0, %mul3A : i32
    %add3A = arith.addi %mul3A_0, %arg1 : i32
    %mul3A_1 = arith.constant 1 : i32
    %mul3A_2 = arith.muli %add3A, %mul3A_1 : i32
    %add3A_3 = arith.addi %mul3A_2, %arg2 : i32
    %c0_i32 = arith.constant 0 : i32
    %c0_i32_4 = arith.constant 0 : i32
    %c0_i32_5 = arith.constant 0 : i32
    return %add3A_3, %c0_i32, %c0_i32_4 : i32, i32, i32
  }
  func.func @transform_4(%arg0: i32, %arg1: i32, %arg2: i32) -> (i32, i32, i32) {
    %c0_i32 = arith.constant 0 : i32
    %c0_i32_0 = arith.constant 0 : i32
    %c0_i32_1 = arith.constant 0 : i32
    return %arg1, %c0_i32, %c0_i32_0 : i32, i32, i32
  }
  func.func @transform_5(%arg0: i32, %arg1: i32, %arg2: i32) -> (i32, i32, i32) {
    %mul3A = arith.constant 8 : i32
    %mul3A_0 = arith.muli %arg0, %mul3A : i32
    %add3A = arith.addi %mul3A_0, %arg1 : i32
    %mul3A_1 = arith.constant 1 : i32
    %mul3A_2 = arith.muli %add3A, %mul3A_1 : i32
    %add3A_3 = arith.addi %mul3A_2, %arg2 : i32
    %c0_i32 = arith.constant 0 : i32
    %c0_i32_4 = arith.constant 0 : i32
    %c0_i32_5 = arith.constant 0 : i32
    return %add3A_3, %c0_i32, %c0_i32_4 : i32, i32, i32
  }
  func.func @transform_6(%arg0: i32, %arg1: i32, %arg2: i32) -> (i32, i32, i32) {
    %mul3A = arith.constant 8 : i32
    %mul3A_0 = arith.muli %arg0, %mul3A : i32
    %add3A = arith.addi %mul3A_0, %arg1 : i32
    %mul3A_1 = arith.constant 1 : i32
    %mul3A_2 = arith.muli %add3A, %mul3A_1 : i32
    %add3A_3 = arith.addi %mul3A_2, %arg2 : i32
    %c0_i32 = arith.constant 0 : i32
    %c0_i32_4 = arith.constant 0 : i32
    %c0_i32_5 = arith.constant 0 : i32
    return %add3A_3, %c0_i32, %c0_i32_4 : i32, i32, i32
  }
  func.func @transform_7(%arg0: i32, %arg1: i32, %arg2: i32) -> (i32, i32, i32) {
    %mul3A = arith.constant 8 : i32
    %mul3A_0 = arith.muli %arg0, %mul3A : i32
    %add3A = arith.addi %mul3A_0, %arg1 : i32
    %mul3A_1 = arith.constant 1 : i32
    %mul3A_2 = arith.muli %add3A, %mul3A_1 : i32
    %add3A_3 = arith.addi %mul3A_2, %arg2 : i32
    %c0_i32 = arith.constant 0 : i32
    %c0_i32_4 = arith.constant 0 : i32
    %c0_i32_5 = arith.constant 0 : i32
    return %add3A_3, %c0_i32, %c0_i32_4 : i32, i32, i32
  }
}

module attributes {stable_mosaic.version = 14 : i64} {
  func.func @_cb_metrics_kernel(%arg0: i32, %arg1: memref<1x512x32xf32, #tpu.memory_space<vmem>>, %arg2: memref<1x1x512xf32, #tpu.memory_space<vmem>>, %arg3: memref<1x1x128xf32, #tpu.memory_space<vmem>>) attributes {dimension_semantics = [#tpu.dimension_semantics<arbitrary>], iteration_bounds = array<i64: 8>, scalar_prefetch = 0 : i64, scratch_operands = 0 : i64, tpu.core_type = #tpu.core_type<tc>, window_params = [{transform_indices = @transform_0, window_bounds = array<i64: 1, 512, 32>}, {transform_indices = @transform_1, window_bounds = array<i64: 1, 1, 512>}, {transform_indices = @transform_2, window_bounds = array<i64: 1, 1, 128>}]} {
    %get3A = arith.constant 0 : index
    %get3A_0 = arith.constant 0 : index
    %get3A_1 = arith.constant 0 : index
    %get3A_2 = vector.load %arg1[%get3A, %get3A_0, %get3A_1] : memref<1x512x32xf32, #tpu.memory_space<vmem>>, vector<1x512x32xf32>
    %get3A_3 = vector.shape_cast %get3A_2 : vector<1x512x32xf32> to vector<512x32xf32>
    %get3A_4 = arith.constant 0 : index
    %get3A_5 = arith.constant 0 : index
    %get3A_6 = arith.constant 0 : index
    %get3A_7 = vector.load %arg2[%get3A_4, %get3A_5, %get3A_6] : memref<1x1x512xf32, #tpu.memory_space<vmem>>, vector<1x1x512xf32>
    %get3A_8 = vector.shape_cast %get3A_7 : vector<1x1x512xf32> to vector<512xf32>
    %mul3A = arith.mulf %get3A_3, %get3A_3 : vector<512x32xf32>
    %reduce_sum3A = arith.constant dense<0.000000e+00> : vector<512xf32>
    %reduce_sum3A_9 = vector.multi_reduction <add>, %mul3A, %reduce_sum3A [1] : vector<512x32xf32> to vector<512xf32>
    %sqrt3A = math.sqrt %reduce_sum3A_9 : vector<512xf32>
    %max3A = arith.constant 0.00999999977 : f32
    %max3A_10 = vector.broadcast %max3A : f32 to vector<512xf32>
    %max3A_11 = arith.maximumf %sqrt3A, %max3A_10 : vector<512xf32>
    %broadcast_in_dim3A = vector.shape_cast %max3A_11 : vector<512xf32> to vector<512x1xf32>
    %div3A = vector.broadcast %broadcast_in_dim3A : vector<512x1xf32> to vector<512x32xf32>
    %div3A_12 = arith.divf %get3A_3, %div3A : vector<512x32xf32>
    %dot_general3A = arith.constant dense<0.000000e+00> : vector<512x512xf32>
    %dot_general3A_13 = tpu.matmul %div3A_12, %div3A_12, %dot_general3A {dimension_numbers = #tpu.dot_dimension_numbers<[1], [1], [0], [0], [0, 0, 1, 0], [], []>, transpose_lhs_hint = false} : vector<512x32xf32>, vector<512x32xf32>, vector<512x512xf32> -> vector<512x512xf32>
    %dot_general3A_14 = arith.constant dense<0.000000e+00> : vector<512x512xf32>
    %dot_general3A_15 = tpu.matmul %get3A_3, %get3A_3, %dot_general3A_14 {dimension_numbers = #tpu.dot_dimension_numbers<[1], [1], [0], [0], [0, 0, 1, 0], [], []>, transpose_lhs_hint = false} : vector<512x32xf32>, vector<512x32xf32>, vector<512x512xf32> -> vector<512x512xf32>
    %broadcast_in_dim3A_16 = vector.shape_cast %reduce_sum3A_9 : vector<512xf32> to vector<512x1xf32>
    %broadcast_in_dim3A_17 = vector.shape_cast %reduce_sum3A_9 : vector<512xf32> to vector<1x512xf32>
    %add3A = vector.broadcast %broadcast_in_dim3A_16 : vector<512x1xf32> to vector<512x512xf32>
    %add3A_18 = vector.broadcast %broadcast_in_dim3A_17 : vector<1x512xf32> to vector<512x512xf32>
    %add3A_19 = arith.addf %add3A, %add3A_18 : vector<512x512xf32>
    %mul3A_20 = arith.constant 2.000000e+00 : f32
    %mul3A_21 = vector.broadcast %mul3A_20 : f32 to vector<512x512xf32>
    %mul3A_22 = arith.mulf %mul3A_21, %dot_general3A_15 : vector<512x512xf32>
    %sub3A = arith.subf %add3A_19, %mul3A_22 : vector<512x512xf32>
    %max3A_23 = arith.constant 0.000000e+00 : f32
    %max3A_24 = vector.broadcast %max3A_23 : f32 to vector<512x512xf32>
    %max3A_25 = arith.maximumf %sub3A, %max3A_24 : vector<512x512xf32>
    %sqrt3A_26 = math.sqrt %max3A_25 : vector<512x512xf32>
    %iota3A = tpu.iota {dimensions = array<i32: 0>} : vector<512x512xi32>
    %iota3A_27 = tpu.iota {dimensions = array<i32: 1>} : vector<512x512xi32>
    %gt3A = arith.cmpi sgt, %iota3A, %iota3A_27 : vector<512x512xi32>
    %convert_element_type3A = arith.extui %gt3A : vector<512x512xi1> to vector<512x512xi32>
    %convert_element_type3A_28 = arith.sitofp %convert_element_type3A : vector<512x512xi32> to vector<512x512xf32>
    %ge3A = arith.cmpi sge, %iota3A_27, %iota3A : vector<512x512xi32>
    %convert_element_type3A_29 = arith.extui %ge3A : vector<512x512xi1> to vector<512x512xi32>
    %convert_element_type3A_30 = arith.sitofp %convert_element_type3A_29 : vector<512x512xi32> to vector<512x512xf32>
    %reduce_sum3A_31 = vector.shape_cast %get3A_8 : vector<512xf32> to vector<1x512xf32>
    %reduce_sum3A_32 = arith.constant dense<0.000000e+00> : vector<1xf32>
    %reduce_sum3A_33 = vector.multi_reduction <add>, %reduce_sum3A_31, %reduce_sum3A_32 [1] : vector<1x512xf32> to vector<1xf32>
    %reduce_sum3A_34 = vector.shape_cast %reduce_sum3A_33 : vector<1xf32> to vector<1x1xf32>
    %reduce_sum3A_35 = vector.extract %reduce_sum3A_34[0, 0] : f32 from vector<1x1xf32>
    %div3A_36 = vector.broadcast %reduce_sum3A_35 : f32 to vector<512xf32>
    %div3A_37 = arith.divf %get3A_8, %div3A_36 : vector<512xf32>
    %neg3A = arith.constant 0.000000e+00 : f32
    %neg3A_38 = vector.broadcast %neg3A : f32 to vector<512xf32>
    %neg3A_39 = arith.subf %neg3A_38, %div3A_37 : vector<512xf32>
    %log3A = math.log %div3A_37 : vector<512xf32>
    %mul3A_40 = arith.mulf %neg3A_39, %log3A : vector<512xf32>
    %reduce_sum3A_41 = vector.shape_cast %mul3A_40 : vector<512xf32> to vector<1x512xf32>
    %reduce_sum3A_42 = arith.constant dense<0.000000e+00> : vector<1xf32>
    %reduce_sum3A_43 = vector.multi_reduction <add>, %reduce_sum3A_41, %reduce_sum3A_42 [1] : vector<1x512xf32> to vector<1xf32>
    %reduce_sum3A_44 = vector.shape_cast %reduce_sum3A_43 : vector<1xf32> to vector<1x1xf32>
    %reduce_sum3A_45 = vector.extract %reduce_sum3A_44[0, 0] : f32 from vector<1x1xf32>
    %lt3A = arith.constant 1.000000e+00 : f32
    %lt3A_46 = vector.broadcast %lt3A : f32 to vector<512xf32>
    %lt3A_47 = arith.cmpf olt, %get3A_8, %lt3A_46 : vector<512xf32>
    %gt3A_48 = arith.constant 1.000000e+06 : f32
    %gt3A_49 = vector.broadcast %gt3A_48 : f32 to vector<512xf32>
    %gt3A_50 = arith.cmpf ogt, %get3A_8, %gt3A_49 : vector<512xf32>
    %or3A = arith.ori %lt3A_47, %gt3A_50 : vector<512xi1>
    %convert_element_type3A_51 = arith.extui %or3A : vector<512xi1> to vector<512xi32>
    %convert_element_type3A_52 = arith.sitofp %convert_element_type3A_51 : vector<512xi32> to vector<512xf32>
    %reduce_sum3A_53 = vector.shape_cast %convert_element_type3A_52 : vector<512xf32> to vector<1x512xf32>
    %reduce_sum3A_54 = arith.constant dense<0.000000e+00> : vector<1xf32>
    %reduce_sum3A_55 = vector.multi_reduction <add>, %reduce_sum3A_53, %reduce_sum3A_54 [1] : vector<1x512xf32> to vector<1xf32>
    %reduce_sum3A_56 = vector.shape_cast %reduce_sum3A_55 : vector<1xf32> to vector<1x1xf32>
    %reduce_sum3A_57 = vector.extract %reduce_sum3A_56[0, 0] : f32 from vector<1x1xf32>
    %iota3A_58 = tpu.iota {dimensions = array<i32: 1>} : vector<1x128xi32>
    %eq3A = arith.constant 0 : i32
    %eq3A_59 = vector.broadcast %eq3A : i32 to vector<1x128xi32>
    %eq3A_60 = arith.cmpi eq, %iota3A_58, %eq3A_59 : vector<1x128xi32>
    %mul3A_61 = arith.mulf %convert_element_type3A_28, %sqrt3A_26 : vector<512x512xf32>
    %mul3A_62 = arith.constant 1.000000e+30 : f32
    %mul3A_63 = vector.broadcast %mul3A_62 : f32 to vector<512x512xf32>
    %mul3A_64 = arith.mulf %mul3A_63, %convert_element_type3A_30 : vector<512x512xf32>
    %sub3A_65 = arith.subf %mul3A_61, %mul3A_64 : vector<512x512xf32>
    %reduce_max3A = vector.shape_cast %sub3A_65 : vector<512x512xf32> to vector<1x512x512xf32>
    %reduce_max3A_66 = arith.constant dense<0xFF800000> : vector<1xf32>
    %reduce_max3A_67 = vector.multi_reduction <maximumf>, %reduce_max3A, %reduce_max3A_66 [1, 2] : vector<1x512x512xf32> to vector<1xf32>
    %reduce_max3A_68 = vector.shape_cast %reduce_max3A_67 : vector<1xf32> to vector<1x1x1xf32>
    %reduce_max3A_69 = vector.extract %reduce_max3A_68[0, 0, 0] : f32 from vector<1x1x1xf32>
    %jit3A = arith.constant 0.000000e+00 : f32
    %broadcast_in_dim3A_70 = vector.broadcast %reduce_max3A_69 : f32 to vector<1x128xf32>
    %broadcast_in_dim3A_71 = vector.broadcast %jit3A : f32 to vector<1x128xf32>
    %select_n3A = arith.select %eq3A_60, %broadcast_in_dim3A_70, %broadcast_in_dim3A_71 : vector<1x128xi1>, vector<1x128xf32>
    %eq3A_72 = arith.constant 1 : i32
    %eq3A_73 = vector.broadcast %eq3A_72 : i32 to vector<1x128xi32>
    %eq3A_74 = arith.cmpi eq, %iota3A_58, %eq3A_73 : vector<1x128xi32>
    %mul3A_75 = arith.mulf %convert_element_type3A_28, %sqrt3A_26 : vector<512x512xf32>
    %reduce_sum3A_76 = vector.shape_cast %mul3A_75 : vector<512x512xf32> to vector<1x512x512xf32>
    %reduce_sum3A_77 = arith.constant dense<0.000000e+00> : vector<1xf32>
    %reduce_sum3A_78 = vector.multi_reduction <add>, %reduce_sum3A_76, %reduce_sum3A_77 [1, 2] : vector<1x512x512xf32> to vector<1xf32>
    %reduce_sum3A_79 = vector.shape_cast %reduce_sum3A_78 : vector<1xf32> to vector<1x1x1xf32>
    %reduce_sum3A_80 = vector.extract %reduce_sum3A_79[0, 0, 0] : f32 from vector<1x1x1xf32>
    %div3A_81 = arith.constant 1.308160e+05 : f32
    %div3A_82 = arith.divf %reduce_sum3A_80, %div3A_81 : f32
    %jit3A_83 = arith.constant 0.000000e+00 : f32
    %broadcast_in_dim3A_84 = vector.broadcast %div3A_82 : f32 to vector<1x128xf32>
    %broadcast_in_dim3A_85 = vector.broadcast %jit3A_83 : f32 to vector<1x128xf32>
    %select_n3A_86 = arith.select %eq3A_74, %broadcast_in_dim3A_84, %broadcast_in_dim3A_85 : vector<1x128xi1>, vector<1x128xf32>
    %add3A_87 = arith.addf %select_n3A, %select_n3A_86 : vector<1x128xf32>
    %eq3A_88 = arith.constant 2 : i32
    %eq3A_89 = vector.broadcast %eq3A_88 : i32 to vector<1x128xi32>
    %eq3A_90 = arith.cmpi eq, %iota3A_58, %eq3A_89 : vector<1x128xi32>
    %mul3A_91 = arith.mulf %convert_element_type3A_28, %sqrt3A_26 : vector<512x512xf32>
    %mul3A_92 = arith.constant 1.000000e+30 : f32
    %mul3A_93 = vector.broadcast %mul3A_92 : f32 to vector<512x512xf32>
    %mul3A_94 = arith.mulf %mul3A_93, %convert_element_type3A_30 : vector<512x512xf32>
    %add3A_95 = arith.addf %mul3A_91, %mul3A_94 : vector<512x512xf32>
    %reduce_min3A = vector.shape_cast %add3A_95 : vector<512x512xf32> to vector<1x512x512xf32>
    %reduce_min3A_96 = arith.constant dense<0x7F800000> : vector<1xf32>
    %reduce_min3A_97 = vector.multi_reduction <minimumf>, %reduce_min3A, %reduce_min3A_96 [1, 2] : vector<1x512x512xf32> to vector<1xf32>
    %reduce_min3A_98 = vector.shape_cast %reduce_min3A_97 : vector<1xf32> to vector<1x1x1xf32>
    %reduce_min3A_99 = vector.extract %reduce_min3A_98[0, 0, 0] : f32 from vector<1x1x1xf32>
    %jit3A_100 = arith.constant 0.000000e+00 : f32
    %broadcast_in_dim3A_101 = vector.broadcast %reduce_min3A_99 : f32 to vector<1x128xf32>
    %broadcast_in_dim3A_102 = vector.broadcast %jit3A_100 : f32 to vector<1x128xf32>
    %select_n3A_103 = arith.select %eq3A_90, %broadcast_in_dim3A_101, %broadcast_in_dim3A_102 : vector<1x128xi1>, vector<1x128xf32>
    %add3A_104 = arith.addf %add3A_87, %select_n3A_103 : vector<1x128xf32>
    %eq3A_105 = arith.constant 3 : i32
    %eq3A_106 = vector.broadcast %eq3A_105 : i32 to vector<1x128xi32>
    %eq3A_107 = arith.cmpi eq, %iota3A_58, %eq3A_106 : vector<1x128xi32>
    %jit3A_108 = arith.constant 0.000000e+00 : f32
    %broadcast_in_dim3A_109 = vector.broadcast %reduce_sum3A_45 : f32 to vector<1x128xf32>
    %broadcast_in_dim3A_110 = vector.broadcast %jit3A_108 : f32 to vector<1x128xf32>
    %select_n3A_111 = arith.select %eq3A_107, %broadcast_in_dim3A_109, %broadcast_in_dim3A_110 : vector<1x128xi1>, vector<1x128xf32>
    %add3A_112 = arith.addf %add3A_104, %select_n3A_111 : vector<1x128xf32>
    %eq3A_113 = arith.constant 4 : i32
    %eq3A_114 = vector.broadcast %eq3A_113 : i32 to vector<1x128xi32>
    %eq3A_115 = arith.cmpi eq, %iota3A_58, %eq3A_114 : vector<1x128xi32>
    %reduce_max3A_116 = vector.shape_cast %max3A_11 : vector<512xf32> to vector<1x512xf32>
    %reduce_max3A_117 = arith.constant dense<0xFF800000> : vector<1xf32>
    %reduce_max3A_118 = vector.multi_reduction <maximumf>, %reduce_max3A_116, %reduce_max3A_117 [1] : vector<1x512xf32> to vector<1xf32>
    %reduce_max3A_119 = vector.shape_cast %reduce_max3A_118 : vector<1xf32> to vector<1x1xf32>
    %reduce_max3A_120 = vector.extract %reduce_max3A_119[0, 0] : f32 from vector<1x1xf32>
    %jit3A_121 = arith.constant 0.000000e+00 : f32
    %broadcast_in_dim3A_122 = vector.broadcast %reduce_max3A_120 : f32 to vector<1x128xf32>
    %broadcast_in_dim3A_123 = vector.broadcast %jit3A_121 : f32 to vector<1x128xf32>
    %select_n3A_124 = arith.select %eq3A_115, %broadcast_in_dim3A_122, %broadcast_in_dim3A_123 : vector<1x128xi1>, vector<1x128xf32>
    %add3A_125 = arith.addf %add3A_112, %select_n3A_124 : vector<1x128xf32>
    %eq3A_126 = arith.constant 5 : i32
    %eq3A_127 = vector.broadcast %eq3A_126 : i32 to vector<1x128xi32>
    %eq3A_128 = arith.cmpi eq, %iota3A_58, %eq3A_127 : vector<1x128xi32>
    %reduce_sum3A_129 = vector.shape_cast %max3A_11 : vector<512xf32> to vector<1x512xf32>
    %reduce_sum3A_130 = arith.constant dense<0.000000e+00> : vector<1xf32>
    %reduce_sum3A_131 = vector.multi_reduction <add>, %reduce_sum3A_129, %reduce_sum3A_130 [1] : vector<1x512xf32> to vector<1xf32>
    %reduce_sum3A_132 = vector.shape_cast %reduce_sum3A_131 : vector<1xf32> to vector<1x1xf32>
    %reduce_sum3A_133 = vector.extract %reduce_sum3A_132[0, 0] : f32 from vector<1x1xf32>
    %div3A_134 = arith.constant 5.120000e+02 : f32
    %div3A_135 = arith.divf %reduce_sum3A_133, %div3A_134 : f32
    %jit3A_136 = arith.constant 0.000000e+00 : f32
    %broadcast_in_dim3A_137 = vector.broadcast %div3A_135 : f32 to vector<1x128xf32>
    %broadcast_in_dim3A_138 = vector.broadcast %jit3A_136 : f32 to vector<1x128xf32>
    %select_n3A_139 = arith.select %eq3A_128, %broadcast_in_dim3A_137, %broadcast_in_dim3A_138 : vector<1x128xi1>, vector<1x128xf32>
    %add3A_140 = arith.addf %add3A_125, %select_n3A_139 : vector<1x128xf32>
    %eq3A_141 = arith.constant 6 : i32
    %eq3A_142 = vector.broadcast %eq3A_141 : i32 to vector<1x128xi32>
    %eq3A_143 = arith.cmpi eq, %iota3A_58, %eq3A_142 : vector<1x128xi32>
    %reduce_min3A_144 = vector.shape_cast %max3A_11 : vector<512xf32> to vector<1x512xf32>
    %reduce_min3A_145 = arith.constant dense<0x7F800000> : vector<1xf32>
    %reduce_min3A_146 = vector.multi_reduction <minimumf>, %reduce_min3A_144, %reduce_min3A_145 [1] : vector<1x512xf32> to vector<1xf32>
    %reduce_min3A_147 = vector.shape_cast %reduce_min3A_146 : vector<1xf32> to vector<1x1xf32>
    %reduce_min3A_148 = vector.extract %reduce_min3A_147[0, 0] : f32 from vector<1x1xf32>
    %jit3A_149 = arith.constant 0.000000e+00 : f32
    %broadcast_in_dim3A_150 = vector.broadcast %reduce_min3A_148 : f32 to vector<1x128xf32>
    %broadcast_in_dim3A_151 = vector.broadcast %jit3A_149 : f32 to vector<1x128xf32>
    %select_n3A_152 = arith.select %eq3A_143, %broadcast_in_dim3A_150, %broadcast_in_dim3A_151 : vector<1x128xi1>, vector<1x128xf32>
    %add3A_153 = arith.addf %add3A_140, %select_n3A_152 : vector<1x128xf32>
    %eq3A_154 = arith.constant 7 : i32
    %eq3A_155 = vector.broadcast %eq3A_154 : i32 to vector<1x128xi32>
    %eq3A_156 = arith.cmpi eq, %iota3A_58, %eq3A_155 : vector<1x128xi32>
    %mul3A_157 = arith.mulf %convert_element_type3A_28, %dot_general3A_13 : vector<512x512xf32>
    %mul3A_158 = arith.constant 1.000000e+30 : f32
    %mul3A_159 = vector.broadcast %mul3A_158 : f32 to vector<512x512xf32>
    %mul3A_160 = arith.mulf %mul3A_159, %convert_element_type3A_30 : vector<512x512xf32>
    %sub3A_161 = arith.subf %mul3A_157, %mul3A_160 : vector<512x512xf32>
    %reduce_max3A_162 = vector.shape_cast %sub3A_161 : vector<512x512xf32> to vector<1x512x512xf32>
    %reduce_max3A_163 = arith.constant dense<0xFF800000> : vector<1xf32>
    %reduce_max3A_164 = vector.multi_reduction <maximumf>, %reduce_max3A_162, %reduce_max3A_163 [1, 2] : vector<1x512x512xf32> to vector<1xf32>
    %reduce_max3A_165 = vector.shape_cast %reduce_max3A_164 : vector<1xf32> to vector<1x1x1xf32>
    %reduce_max3A_166 = vector.extract %reduce_max3A_165[0, 0, 0] : f32 from vector<1x1x1xf32>
    %jit3A_167 = arith.constant 0.000000e+00 : f32
    %broadcast_in_dim3A_168 = vector.broadcast %reduce_max3A_166 : f32 to vector<1x128xf32>
    %broadcast_in_dim3A_169 = vector.broadcast %jit3A_167 : f32 to vector<1x128xf32>
    %select_n3A_170 = arith.select %eq3A_156, %broadcast_in_dim3A_168, %broadcast_in_dim3A_169 : vector<1x128xi1>, vector<1x128xf32>
    %add3A_171 = arith.addf %add3A_153, %select_n3A_170 : vector<1x128xf32>
    %eq3A_172 = arith.constant 8 : i32
    %eq3A_173 = vector.broadcast %eq3A_172 : i32 to vector<1x128xi32>
    %eq3A_174 = arith.cmpi eq, %iota3A_58, %eq3A_173 : vector<1x128xi32>
    %mul3A_175 = arith.mulf %convert_element_type3A_28, %dot_general3A_13 : vector<512x512xf32>
    %reduce_sum3A_176 = vector.shape_cast %mul3A_175 : vector<512x512xf32> to vector<1x512x512xf32>
    %reduce_sum3A_177 = arith.constant dense<0.000000e+00> : vector<1xf32>
    %reduce_sum3A_178 = vector.multi_reduction <add>, %reduce_sum3A_176, %reduce_sum3A_177 [1, 2] : vector<1x512x512xf32> to vector<1xf32>
    %reduce_sum3A_179 = vector.shape_cast %reduce_sum3A_178 : vector<1xf32> to vector<1x1x1xf32>
    %reduce_sum3A_180 = vector.extract %reduce_sum3A_179[0, 0, 0] : f32 from vector<1x1x1xf32>
    %div3A_181 = arith.constant 1.308160e+05 : f32
    %div3A_182 = arith.divf %reduce_sum3A_180, %div3A_181 : f32
    %jit3A_183 = arith.constant 0.000000e+00 : f32
    %broadcast_in_dim3A_184 = vector.broadcast %div3A_182 : f32 to vector<1x128xf32>
    %broadcast_in_dim3A_185 = vector.broadcast %jit3A_183 : f32 to vector<1x128xf32>
    %select_n3A_186 = arith.select %eq3A_174, %broadcast_in_dim3A_184, %broadcast_in_dim3A_185 : vector<1x128xi1>, vector<1x128xf32>
    %add3A_187 = arith.addf %add3A_171, %select_n3A_186 : vector<1x128xf32>
    %eq3A_188 = arith.constant 9 : i32
    %eq3A_189 = vector.broadcast %eq3A_188 : i32 to vector<1x128xi32>
    %eq3A_190 = arith.cmpi eq, %iota3A_58, %eq3A_189 : vector<1x128xi32>
    %mul3A_191 = arith.mulf %convert_element_type3A_28, %dot_general3A_13 : vector<512x512xf32>
    %mul3A_192 = arith.constant 1.000000e+30 : f32
    %mul3A_193 = vector.broadcast %mul3A_192 : f32 to vector<512x512xf32>
    %mul3A_194 = arith.mulf %mul3A_193, %convert_element_type3A_30 : vector<512x512xf32>
    %add3A_195 = arith.addf %mul3A_191, %mul3A_194 : vector<512x512xf32>
    %reduce_min3A_196 = vector.shape_cast %add3A_195 : vector<512x512xf32> to vector<1x512x512xf32>
    %reduce_min3A_197 = arith.constant dense<0x7F800000> : vector<1xf32>
    %reduce_min3A_198 = vector.multi_reduction <minimumf>, %reduce_min3A_196, %reduce_min3A_197 [1, 2] : vector<1x512x512xf32> to vector<1xf32>
    %reduce_min3A_199 = vector.shape_cast %reduce_min3A_198 : vector<1xf32> to vector<1x1x1xf32>
    %reduce_min3A_200 = vector.extract %reduce_min3A_199[0, 0, 0] : f32 from vector<1x1x1xf32>
    %jit3A_201 = arith.constant 0.000000e+00 : f32
    %broadcast_in_dim3A_202 = vector.broadcast %reduce_min3A_200 : f32 to vector<1x128xf32>
    %broadcast_in_dim3A_203 = vector.broadcast %jit3A_201 : f32 to vector<1x128xf32>
    %select_n3A_204 = arith.select %eq3A_190, %broadcast_in_dim3A_202, %broadcast_in_dim3A_203 : vector<1x128xi1>, vector<1x128xf32>
    %add3A_205 = arith.addf %add3A_187, %select_n3A_204 : vector<1x128xf32>
    %eq3A_206 = arith.constant 10 : i32
    %eq3A_207 = vector.broadcast %eq3A_206 : i32 to vector<1x128xi32>
    %eq3A_208 = arith.cmpi eq, %iota3A_58, %eq3A_207 : vector<1x128xi32>
    %jit3A_209 = arith.constant 0.000000e+00 : f32
    %broadcast_in_dim3A_210 = vector.broadcast %reduce_sum3A_57 : f32 to vector<1x128xf32>
    %broadcast_in_dim3A_211 = vector.broadcast %jit3A_209 : f32 to vector<1x128xf32>
    %select_n3A_212 = arith.select %eq3A_208, %broadcast_in_dim3A_210, %broadcast_in_dim3A_211 : vector<1x128xi1>, vector<1x128xf32>
    %add3A_213 = arith.addf %add3A_205, %select_n3A_212 : vector<1x128xf32>
    %eq3A_214 = arith.constant 11 : i32
    %eq3A_215 = vector.broadcast %eq3A_214 : i32 to vector<1x128xi32>
    %eq3A_216 = arith.cmpi eq, %iota3A_58, %eq3A_215 : vector<1x128xi32>
    %reduce_max3A_217 = vector.shape_cast %get3A_8 : vector<512xf32> to vector<1x512xf32>
    %reduce_max3A_218 = arith.constant dense<0xFF800000> : vector<1xf32>
    %reduce_max3A_219 = vector.multi_reduction <maximumf>, %reduce_max3A_217, %reduce_max3A_218 [1] : vector<1x512xf32> to vector<1xf32>
    %reduce_max3A_220 = vector.shape_cast %reduce_max3A_219 : vector<1xf32> to vector<1x1xf32>
    %reduce_max3A_221 = vector.extract %reduce_max3A_220[0, 0] : f32 from vector<1x1xf32>
    %jit3A_222 = arith.constant 0.000000e+00 : f32
    %broadcast_in_dim3A_223 = vector.broadcast %reduce_max3A_221 : f32 to vector<1x128xf32>
    %broadcast_in_dim3A_224 = vector.broadcast %jit3A_222 : f32 to vector<1x128xf32>
    %select_n3A_225 = arith.select %eq3A_216, %broadcast_in_dim3A_223, %broadcast_in_dim3A_224 : vector<1x128xi1>, vector<1x128xf32>
    %add3A_226 = arith.addf %add3A_213, %select_n3A_225 : vector<1x128xf32>
    %eq3A_227 = arith.constant 12 : i32
    %eq3A_228 = vector.broadcast %eq3A_227 : i32 to vector<1x128xi32>
    %eq3A_229 = arith.cmpi eq, %iota3A_58, %eq3A_228 : vector<1x128xi32>
    %reduce_sum3A_230 = vector.shape_cast %get3A_8 : vector<512xf32> to vector<1x512xf32>
    %reduce_sum3A_231 = arith.constant dense<0.000000e+00> : vector<1xf32>
    %reduce_sum3A_232 = vector.multi_reduction <add>, %reduce_sum3A_230, %reduce_sum3A_231 [1] : vector<1x512xf32> to vector<1xf32>
    %reduce_sum3A_233 = vector.shape_cast %reduce_sum3A_232 : vector<1xf32> to vector<1x1xf32>
    %reduce_sum3A_234 = vector.extract %reduce_sum3A_233[0, 0] : f32 from vector<1x1xf32>
    %div3A_235 = arith.constant 5.120000e+02 : f32
    %div3A_236 = arith.divf %reduce_sum3A_234, %div3A_235 : f32
    %jit3A_237 = arith.constant 0.000000e+00 : f32
    %broadcast_in_dim3A_238 = vector.broadcast %div3A_236 : f32 to vector<1x128xf32>
    %broadcast_in_dim3A_239 = vector.broadcast %jit3A_237 : f32 to vector<1x128xf32>
    %select_n3A_240 = arith.select %eq3A_229, %broadcast_in_dim3A_238, %broadcast_in_dim3A_239 : vector<1x128xi1>, vector<1x128xf32>
    %add3A_241 = arith.addf %add3A_226, %select_n3A_240 : vector<1x128xf32>
    %eq3A_242 = arith.constant 13 : i32
    %eq3A_243 = vector.broadcast %eq3A_242 : i32 to vector<1x128xi32>
    %eq3A_244 = arith.cmpi eq, %iota3A_58, %eq3A_243 : vector<1x128xi32>
    %reduce_min3A_245 = vector.shape_cast %get3A_8 : vector<512xf32> to vector<1x512xf32>
    %reduce_min3A_246 = arith.constant dense<0x7F800000> : vector<1xf32>
    %reduce_min3A_247 = vector.multi_reduction <minimumf>, %reduce_min3A_245, %reduce_min3A_246 [1] : vector<1x512xf32> to vector<1xf32>
    %reduce_min3A_248 = vector.shape_cast %reduce_min3A_247 : vector<1xf32> to vector<1x1xf32>
    %reduce_min3A_249 = vector.extract %reduce_min3A_248[0, 0] : f32 from vector<1x1xf32>
    %jit3A_250 = arith.constant 0.000000e+00 : f32
    %broadcast_in_dim3A_251 = vector.broadcast %reduce_min3A_249 : f32 to vector<1x128xf32>
    %broadcast_in_dim3A_252 = vector.broadcast %jit3A_250 : f32 to vector<1x128xf32>
    %select_n3A_253 = arith.select %eq3A_244, %broadcast_in_dim3A_251, %broadcast_in_dim3A_252 : vector<1x128xi1>, vector<1x128xf32>
    %add3A_254 = arith.addf %add3A_241, %select_n3A_253 : vector<1x128xf32>
    %swap3A = arith.constant 0 : index
    %swap3A_255 = arith.constant 0 : index
    %swap3A_256 = arith.constant 0 : index
    %swap3A_257 = vector.load %arg3[%swap3A, %swap3A_255, %swap3A_256] : memref<1x1x128xf32, #tpu.memory_space<vmem>>, vector<1x1x128xf32>
    %swap3A_258 = vector.shape_cast %swap3A_257 : vector<1x1x128xf32> to vector<1x128xf32>
    %swap3A_259 = vector.shape_cast %add3A_254 : vector<1x128xf32> to vector<1x1x128xf32>
    tpu.vector_store %arg3[%swap3A, %swap3A_255, %swap3A_256], %swap3A_259 {strides = array<i32>} : memref<1x1x128xf32, #tpu.memory_space<vmem>>, vector<1x1x128xf32>,
    return
  }
  func.func @transform_0(%arg0: i32) -> (i32, i32, i32) {
    %c0_i32 = arith.constant 0 : i32
    %c0_i32_0 = arith.constant 0 : i32
    %c0_i32_1 = arith.constant 0 : i32
    return %arg0, %c0_i32, %c0_i32_0 : i32, i32, i32
  }
  func.func @transform_1(%arg0: i32) -> (i32, i32, i32) {
    %c0_i32 = arith.constant 0 : i32
    %c0_i32_0 = arith.constant 0 : i32
    %c0_i32_1 = arith.constant 0 : i32
    return %arg0, %c0_i32, %c0_i32_0 : i32, i32, i32
  }
  func.func @transform_2(%arg0: i32) -> (i32, i32, i32) {
    %c0_i32 = arith.constant 0 : i32
    %c0_i32_0 = arith.constant 0 : i32
    %c0_i32_1 = arith.constant 0 : i32
    return %arg0, %c0_i32, %c0_i32_0 : i32, i32, i32
  }
}

</mosaic_0001>

<sc_bundles>
// kernel: kernel.5.cloned.1.call-start
scs
__scs_entry_jumppad:
0x0: {  	(pc) =	sbr.rel $0x88, $3  }
0x1: {  	(tag) =	ssettag $0x0;
	lr =	simm.s32 $0x1  }
0x2: {  	[smem:$0x3F9D] =	sst lr;
	_ =	strace $0xD0000000  }
0x3: {  	_ = 	snop  }
0x4: {  	_ = 	snop  }
0x5: {  	_ = 	snop  }
0x6: {  	_ = 	snop  }
0x7: {  	_ = 	snop  }
__scs_overlays_trampoline_lowered:
0x8: {  	[smem:$0x3FAC] =	sst s0  }
0x9: {  	[smem:$0x3FAD] =	sst s1  }
0xa: {  	[smem:$0x3FAE] =	sst s2  }
0xb: {  	[smem:$0x3FAF] =	sst s3  }
0xc: {  	[smem:$0x3FB0] =	sst s4  }
0xd: {  	[smem:$0x3FB1] =	sst s5  }
0xe: {  	[smem:$0x3FB2] =	sst s6  }
0xf: {  	[smem:$0x3FB3] =	sst s7  }
0x10: {  	[smem:$0x3FB4] =	sst s8  }
0x11: {  	[smem:$0x3FB5] =	sst s9;
	s0 =	simm.s32 @!p0 $0x0  }
0x12: {  	s1 =	sld [smem:$0x3F9B];
	s0 =	simm.s32 @p0 $0x1  }
0x13: {  	[smem:$0x3FB6] =	sst s0;
	s0 =	simm.s32 @!p1 $0x0  }
0x14: {  	s2 =	sld [smem:$0x3F9A];
	s0 =	simm.s32 @p1 $0x1  }
0x15: {  	[smem:$0x3FB7] =	sst s0;
	s0 =	simm.s32 @!p2 $0x0  }
0x16: {  	s3 =	sld [smem:$0x3FDB];
	s0 =	simm.s32 @p2 $0x1  }
0x17: {  	s4 =	simm.s32 $0x1BF5;
	[smem:$0x3FB9] =	sst s0  }
0x18: {  	s0 =	sld [smem:$0x3F9C];
	_ =	swait.ge [sflag:s4], $0x0  }
0x19: {  	s7 =	sld [smem:$0x3F9D]  }
0x1a: {  	s8 =	sadd.s32 $0xFFFFE003, lr  }
0x1b: {  	s9 =	sadd.s32 $0xFFFFFEF7, lr;
	s5 =	simm.s32 $0xFFFFFFFF;
	p2 =	slt.u32 s8, $0xFFFFF086  }
0x1c: {  	p1 =	slt.u32 s9, $0xF7A;
	s5 =	simm.s32 @!p2 $0x0  }
0x1d: {  	s5 =	simm.s32 @p1 $0x1;
	p0 =	seq.s32 s7, s2  }
0x1e: {  	s7 =	smul.u32 @!p0 $0xF7A, s2;
	p2 =	seq.s32 @!p0 s5, $0x0  }
0x1f: {  	s9 =	smul.u32 $0xF7A, s1;
	s8 =	simm.s32 @!p0 $0x1BF5;
	p2 =	por !p2, p0  }
0x20: {  	[sflag:s8] =	ssyncset.s32 @!p0 $0xFFFFF086;
	s6 =	sadd.s32 @!p0 s3, s7;
	s7 =	simm.s32 @!p0 $0x108  }
0x21: {  	s3 =	sadd.s32 s3, s9;
	s6 =	sadd.s32 @!p0 $0x88, s6;
	s7 =	simm.s32 @p2 $0x1082  }
0x22: {  	[simem:s7], [sflag:s8] =	dma.local @!p0 [hbm:s6], $0xF7A  }
0x23: {  	s9 =	sor.u32 $0xD0000000, s2;
	s6 =	simm.s32 $0x108;
	_ =	swait.ge @!p0 [sflag:s8], $0x0  }
0x24: {  	s3 =	sadd.s32 $0x88, s3;
	s6 =	simm.s32 @!p1 $0x1082;
	[sflag:s4] =	ssyncset.s32 $0xFFFFF086  }
0x25: {  	[simem:s6], [sflag:s4] =	dma.local [hbm:s3], $0xF7A  }
0x26: {  	[smem:$0x3F9D] =	sst s1;
	(tag) =	ssettag s2;
	_ =	strace s9  }
0x27: {  	s1 =	sld [smem:$0x3FAD]  }
0x28: {  	s2 =	sld [smem:$0x3FAE]  }
0x29: {  	s4 =	sld [smem:$0x3FB0]  }
0x2a: {  	p0 =	seq.s32 s5, $0x0;
	s5 =	sld [smem:$0x3FB1]  }
0x2b: {  	s6 =	sld [smem:$0x3FB2]  }
0x2c: {  	s7 =	sld [smem:$0x3FB3]  }
0x2d: {  	s3 =	simm.s32 $0x108;
	s8 =	sld [smem:$0x3FB4]  }
0x2e: {  	s3 =	simm.s32 @!p0 $0x1082;
	s9 =	sld [smem:$0x3FB5]  }
0x2f: {  	lr =	sadd.s32 s0, s3;
	s0 =	sld [smem:$0x3FAC]  }
0x30: {  	s3 =	sld [smem:$0x3FAF]  }
0x31: {  	[smem:$0x3FB8] =	sst s10  }
0x32: {  	s10 =	sld [smem:$0x3FB6];
	_ =	sdelay $0x3  }
0x33: {  	p0 =	seq.s32 s10, $0x1;
	s10 =	sld [smem:$0x3FB8];
	_ =	sdelay $0x3  }
0x34: {  	[smem:$0x3FB8] =	sst s10  }
0x35: {  	s10 =	sld [smem:$0x3FB7];
	_ =	sdelay $0x3  }
0x36: {  	p1 =	seq.s32 s10, $0x1;
	s10 =	sld [smem:$0x3FB8];
	_ =	sdelay $0x3  }
0x37: {  	[smem:$0x3FB8] =	sst s10  }
0x38: {  	s10 =	sld [smem:$0x3FB9]  }
0x39: {  	_ = 	snop;
	(pc) =	sbr.ind lr, $3  }
0x3a: {  	_ = 	snop  }
0x3b: {  	_ = 	snop  }
0x3c: {  	p2 =	seq.s32 s10, $0x1;
	s10 =	sld [smem:$0x3FB8]  }
0x3d: {  	_ =	shalt  }
0x3e: {  	_ =	shalt  }
0x3f: {  	_ =	shalt  }
0x40: {  	_ =	shalt  }
0x41: {  	_ =	shalt  }
0x42: {  	_ =	shalt  }
0x43: {  	_ =	shalt  }
0x44: {  	_ =	shalt  }
0x45: {  	_ =	shalt  }
0x46: {  	_ =	shalt  }
0x47: {  	_ =	shalt  }
0x48: {  	_ =	shalt  }
0x49: {  	_ =	shalt  }
0x4a: {  	_ =	shalt  }
0x4b: {  	_ =	shalt  }
0x4c: {  	_ =	shalt  }
0x4d: {  	_ =	shalt  }
0x4e: {  	_ =	shalt  }
0x4f: {  	_ =	shalt  }
0x50: {  	_ =	shalt  }
0x51: {  	_ =	shalt  }
0x52: {  	_ =	shalt  }
0x53: {  	_ =	shalt  }
0x54: {  	_ =	shalt  }
0x55: {  	_ =	shalt  }
0x56: {  	_ =	shalt  }
0x57: {  	_ =	shalt  }
0x58: {  	_ =	shalt  }
0x59: {  	_ =	shalt  }
0x5a: {  	_ =	shalt  }
0x5b: {  	_ =	shalt  }
0x5c: {  	_ =	shalt  }
0x5d: {  	_ =	shalt  }
0x5e: {  	_ =	shalt  }
0x5f: {  	_ =	shalt  }
0x60: {  	_ =	shalt  }
0x61: {  	_ =	shalt  }
0x62: {  	_ =	shalt  }
0x63: {  	_ =	shalt  }
0x64: {  	_ =	shalt  }
0x65: {  	_ =	shalt  }
0x66: {  	_ =	shalt  }
0x67: {  	_ =	shalt  }
0x68: {  	_ =	shalt  }
0x69: {  	_ =	shalt  }
0x6a: {  	_ =	shalt  }
0x6b: {  	_ =	shalt  }
0x6c: {  	_ =	shalt  }
0x6d: {  	_ =	shalt  }
0x6e: {  	_ =	shalt  }
0x6f: {  	_ =	shalt  }
0x70: {  	_ =	shalt  }
0x71: {  	_ =	shalt  }
0x72: {  	_ =	shalt  }
0x73: {  	_ =	shalt  }
0x74: {  	_ =	shalt  }
0x75: {  	_ =	shalt  }
0x76: {  	_ =	shalt  }
0x77: {  	_ =	shalt  }
0x78: {  	_ =	shalt  }
0x79: {  	_ =	shalt  }
0x7a: {  	_ =	shalt  }
0x7b: {  	_ =	shalt  }
0x7c: {  	_ =	shalt  }
0x7d: {  	_ =	shalt  }
0x7e: {  	_ =	shalt  }
0x7f: {  	_ =	shalt  }
0x80: {  	_ =	shalt  }
0x81: {  	_ =	shalt  }
0x82: {  	_ =	shalt  }
0x83: {  	_ =	shalt  }
0x84: {  	_ =	shalt  }
0x85: {  	_ =	shalt  }
0x86: {  	_ =	shalt  }
0x87: {  	_ =	shalt  }
.Lfunc_end0:
.L_simem_size_0:
called_computation_lowered:
.L_overlay_start_0:
0x88: {  	s2 =	sld [smem:$0x3FD9]  }
0x89: {  	s3 =	sld [smem:$0x3FFE];
	_ =	sdelay $0x1  }
0x8a: {  	s1 =	srdreg.scid  }
0x8b: {  	s0 =	sand.u32 $0x1, s1  }
0x8c: {  	s14 =	sshll.u32 s0, $0xA;
	s2 =	sadd.s32 s3, s2  }
0x8d: {  	s2 =	sadd.s32 s2, s14  }
0x8e: {  	[smem:$0x3FC4] =	sst s2  }
0x8f: {  	_ = 	snop  }
0x90: {  	s2 =	sld [smem:$0x3FD0];
	_ =	sdelay $0x2  }
0x91: {  	s15 =	simm.s32 $0xA;
	s4 =	simm.s32 $0x10  }
0x92: {  	[smem:s4], [sflag:s15] =	dma.local [hbm:s2], $0x1  }
0x93: {  	_ =	swait.eq [sflag:s15], $0x1  }
0x94: {  	[sflag:s15] =	ssyncset.done $0x0  }
0x95: {  	[sflag:s15] =	ssyncadd.s32 $0xFFFFFFFF  }
0x96: {  	s16 =	sld [smem:$0x10];
	(tm) =	ssettm $0x1  }
0x97: {  	s17 =	sld [smem:$0x3FFB];
	_ =	sdelay $0x3  }
0x98: {  	_ =	strace s17  }
0x99: {  	s3 =	sld [smem:$0x3FFC];
	_ =	sdelay $0x3  }
0x9a: {  	_ =	strace s3  }
0x9b: {  	s3 =	sld [smem:$0x3FFD];
	_ =	sdelay $0x3  }
0x9c: {  	_ =	strace s3  }
0x9d: {  	_ =	strace $0x8FFFFFFF  }
0x9e: {  	s18 =	sld [smem:$0x3FDB];
	_ =	sdelay $0x1  }
0x9f: {  	s19 =	simm.s32 $_scs_section_size  }
0xa0: {  	s5 =	simm.s32 $_size__tile_overlayer_lowered;
	s6 =	simm.s32 $_tile_overlayer_lowered  }
0xa1: {  	s22 =	simm.s32 $0x1BFF;
	s21 =	sshll.u32 s6, $0x1;
	s3 =	sadd.s32 s19, s18  }
0xa2: {  	s7 =	simm.s32 $0x0;
	s20 =	sshll.u32 s5, $0x1;
	s5 =	sadd.s32 s21, s3  }
0xa3: {  	[timem:s7], [sflag:s22] =	dma.local [hbm:s5], s20  }
0xa4: {  	_ =	swait.ge [sflag:s22], s20  }
0xa5: {  	s4 =	ssub.s32 $0x0, s20;
	[sflag:s22] =	ssyncset.done $0x0  }
0xa6: {  	[sflag:s22] =	ssyncadd.s32 s4;
	_ =	sdelay $0x1  }
0xa7: {  	s23 =	simm.s32 $0x1B8B  }
0xa8: {  	_ =	swait.ge [sflag:s23], $0x1  }
0xa9: {  	[sflag:s23] =	ssyncset.done $0x0  }
0xaa: {  	s25 =	simm.s32 $0x1B8E;
	s24 =	sld [smem:$0x3FFE];
	[sflag:s23] =	ssyncadd.s32 $0xFFFFFFFF  }
0xab: {  	s26 =	simm.s32 $execute0_lowered;
	[smem:$0x3FD2] =	sst s25  }
0xac: {  	s5 =	sshll.u32 s26, $0x1;
	_ =	strace $0x80000046;
	[dreg:$0x1] =	wrdreg $0xFFFFFFFF  }
0xad: {  	s28 =	simm.s32 $_size_execute0_lowered;
	s3 =	sadd.s32 s3, s5;
	[dreg:$0x0] =	wrdreg $0x0  }
0xae: {  	s5 =	sshll.u32 s28, $0x1;
	[dreg:$0x2] =	wrdreg s3  }
0xaf: {  	[dreg:$0x3] =	wrdreg s5  }
0xb0: {  	[dreg:$0x4] =	wrdreg $0xC0  }
0xb1: {  	_ =	task [dreg:s7], $0x5FFFF  }
0xb2: {  	[dreg:$0x1] =	wrdreg $0xFFFFFFFF  }
0xb3: {  	[dreg:$0x0] =	wrdreg $0x60  }
0xb4: {  	[dreg:$0x2] =	wrdreg s24  }
0xb5: {  	[dreg:$0x3] =	wrdreg s16  }
0xb6: {  	[dreg:$0x4] =	wrdreg $0x9  }
0xb7: {  	_ =	task.clear_ibuf [dreg:s7], $0x5FFFF;
	_ =	strace $0x90000046  }
0xb8: {  	s29 =	simm.s32 $0x9;
	_ =	strace $0x80000048  }
0xb9: {  	_ =	swait.ge [sflag:s29], $0x1  }
0xba: {  	[sflag:s29] =	ssyncadd.s32 $0xFFFFFFFF  }
0xbb: {  	_ =	strace $0x90000048  }
0xbc: {  	_ =	sfence  }
0xbd: {  	s30 =	sld [smem:$0x0];
	_ =	sdelay $0x2  }
0xbe: {  	s31 =	sshll.u32 s1, $0xD;
	s1 =	sshrl.u32 s1, $0x2  }
0xbf: {  	s3 =	sand.u32 $0x4000, s31;
	s1 =	sadd.s32 s1, s30  }
0xc0: {  	s0 =	sor.u32 s3, s0;
	s1 =	sshll.u32 s1, $0x11  }
0xc1: {  	s0 =	sor.u32 s1, s0  }
0xc2: {  	s0 =	sadd.s32 $0x8F2B, s0  }
0xc3: {  	[sflag:s0] =	ssyncadd.remote.s32 $0x1  }
0xc4: {  	_ =	sfence.sel $0xFFFF  }
0xc5: {  	[dreg:$0x0] =	wrdreg $0xFFFFFFFF;
	(pc) =	sbr.abs _section_cstart, $3  }
0xc6: {  	[dreg:$0x1] =	wrdreg $0xFFFFFFFF  }
0xc7: {  	_ =	task.clear_ibuf [dreg:s7], $0x2FFFF;
	_ =	strace $0x9FFFFFFF  }
0xc8: {  	(tm) =	ssettm $0x7FFFFFFF  }
0xc9: {  	_ =	shalt  }
tec
execute0_lowered:
.L_overlay_start_1:
0x0: {  	(tag) =	ssettag $0x1  }
0x1: {  	s1 =	srdreg.scid  }
0x2: {  	s13 =	rddreg [dreg:$0x0];
	s0 =	stileid.u32;
	s15 =	sand.u32 $0x1, s1  }
0x3: {  	s14 =	rddreg [dreg:$0x1];
	s3 =	sshll.u32 s0, $0xC;
	s4 =	sshll.u32 s15, $0xB  }
0x4: {  	s2 =	simm.s32 $0x0;
	s1 =	rddreg [dreg:$0x2];
	s16 =	sor.u32 s4, s3  }
0x5: {  	[smem:$0x7FF] =	sst s2;
	s3 =	sshrl.u32 s16, $0x3  }
0x6: {  	_ =	strace $0x80000047;
	s4 =	sadd.s32 s13, s3;
	s3 =	simm.s32 $0x2  }
0x7: {  	[tilespmem:s2], [sflag:$0x2] =	stream.linear.gather [hbm4b:s4+s2], $0x200, $0x38;
	[tilespmem:$0x4200] =	vst v63  }
0x8: {  	_ =	swait.ge [sflag:s3], $0x200  }
0x9: {  	s6 =	simm.s32 $0x200;
	[sflag:s3] =	ssyncset.done $0x0  }
0xa: {  	s7 =	simm.s32 $0x1;
	s5 =	sadd.s32 $0x100000, s13;
	[sflag:s3] =	ssyncadd.s32 $0xFFFFFE00  }
0xb: {  	[tilespmem:s6], [sflag:$0x1] =	stream.indirect.gather [hbm4b:s5+s6], $0x20, s2, s6, $0xb8;
	[tilespmem:$0x4200] =	vst v63  }
0xc: {  	_ =	swait.ge [sflag:s7], $0x4000  }
0xd: {  	s8 =	sshll.u32 s16, $0x2;
	[sflag:s7] =	ssyncset.done $0x0  }
0xe: {  	s8 =	sadd.s32 s14, s8;
	[sflag:s7] =	ssyncadd.s32 $0xFFFFC000  }
0xf: {  	[hbm4b:s8+s2] =	stream.linear.scatter [tilespmem:s6], [sflag:$0x2], $0x4000, $0x38;
	[tilespmem:$0x4200] =	vst v63  }
0x10: {  	s10 =	sor.u32 $0x200, s16;
	_ =	swait.ge [sflag:s3], $0x4000  }
0x11: {  	s9 =	sshrl.u32 s10, $0x3;
	[sflag:s3] =	ssyncset.done $0x0  }
0x12: {  	s9 =	sadd.s32 s13, s9;
	[sflag:s3] =	ssyncadd.s32 $0xFFFFC000  }
0x13: {  	[tilespmem:s2], [sflag:$0x2] =	stream.linear.gather [hbm4b:s9+s2], $0x200, $0x38;
	[tilespmem:$0x4200] =	vst v63  }
0x14: {  	_ =	swait.ge [sflag:s3], $0x200  }
0x15: {  	[sflag:s3] =	ssyncset.done $0x0  }
0x16: {  	[sflag:s3] =	ssyncadd.s32 $0xFFFFFE00  }
0x17: {  	[tilespmem:s6], [sflag:$0x1] =	stream.indirect.gather [hbm4b:s5+s6], $0x20, s2, s6, $0xb8;
	[tilespmem:$0x4200] =	vst v63  }
0x18: {  	_ =	swait.ge [sflag:s7], $0x4000  }
0x19: {  	s10 =	sshll.u32 s10, $0x2;
	[sflag:s7] =	ssyncset.done $0x0  }
0x1a: {  	s10 =	sadd.s32 s14, s10;
	[sflag:s7] =	ssyncadd.s32 $0xFFFFC000  }
0x1b: {  	[hbm4b:s10+s2] =	stream.linear.scatter [tilespmem:s6], [sflag:$0x2], $0x4000, $0x38;
	[tilespmem:$0x4200] =	vst v63  }
0x1c: {  	s12 =	sor.u32 $0x400, s16;
	_ =	swait.ge [sflag:s3], $0x4000  }
0x1d: {  	s11 =	sshrl.u32 s12, $0x3;
	[sflag:s3] =	ssyncset.done $0x0  }
0x1e: {  	s11 =	sadd.s32 s13, s11;
	[sflag:s3] =	ssyncadd.s32 $0xFFFFC000  }
0x1f: {  	[tilespmem:s2], [sflag:$0x2] =	stream.linear.gather [hbm4b:s11+s2], $0x200, $0x38;
	[tilespmem:$0x4200] =	vst v63  }
0x20: {  	_ =	swait.ge [sflag:s3], $0x200  }
0x21: {  	[sflag:s3] =	ssyncset.done $0x0  }
0x22: {  	[sflag:s3] =	ssyncadd.s32 $0xFFFFFE00  }
0x23: {  	[tilespmem:s6], [sflag:$0x1] =	stream.indirect.gather [hbm4b:s5+s6], $0x20, s2, s6, $0xb8;
	[tilespmem:$0x4200] =	vst v63  }
0x24: {  	_ =	swait.ge [sflag:s7], $0x4000  }
0x25: {  	s12 =	sshll.u32 s12, $0x2;
	[sflag:s7] =	ssyncset.done $0x0  }
0x26: {  	s12 =	sadd.s32 s14, s12;
	[sflag:s7] =	ssyncadd.s32 $0xFFFFC000  }
0x27: {  	[hbm4b:s12+s2] =	stream.linear.scatter [tilespmem:s6], [sflag:$0x2], $0x4000, $0x38;
	[tilespmem:$0x4200] =	vst v63  }
0x28: {  	s16 =	sor.u32 $0x600, s16;
	_ =	swait.ge [sflag:s3], $0x4000  }
0x29: {  	s17 =	sshrl.u32 s16, $0x3;
	[sflag:s3] =	ssyncset.done $0x0  }
0x2a: {  	s15 =	ssub.s32 $0x2, s15;
	s13 =	sadd.s32 s13, s17;
	[sflag:s3] =	ssyncadd.s32 $0xFFFFC000  }
0x2b: {  	[tilespmem:s2], [sflag:$0x2] =	stream.linear.gather [hbm4b:s13+s2], $0x200, $0x38;
	[tilespmem:$0x4200] =	vst v63  }
0x2c: {  	s31 =	sshrl.u32 s15, $0x1;
	_ =	swait.ge [sflag:s3], $0x200  }
0x2d: {  	s15 =	ssub.s32 s15, s31;
	[sflag:s3] =	ssyncset.done $0x0  }
0x2e: {  	s15 =	smax.u32 s15, $0x1;
	[sflag:s3] =	ssyncadd.s32 $0xFFFFFE00  }
0x2f: {  	[tilespmem:s6], [sflag:$0x1] =	stream.indirect.gather [hbm4b:s5+s6], $0x20, s2, s6, $0xb8;
	[tilespmem:$0x4200] =	vst v63  }
0x30: {  	p0 =	sne.s32 s15, $0x1;
	_ =	swait.ge [sflag:s7], $0x4000  }
.Ltmp0:
0x31: {  	s16 =	sshll.u32 s16, $0x2;
	[sflag:s7] =	ssyncset.done $0x0;
	(pc) =	sbr.rel @!p0 .LBB2_2-.Ltmp0, $4  }
0x32: {  	s14 =	sadd.s32 s14, s16;
	[sflag:s7] =	ssyncadd.s32 $0xFFFFC000  }
0x33: {  	[hbm4b:s14+s2] =	stream.linear.scatter [tilespmem:s6], [sflag:$0x2], $0x4000, $0x38;
	[tilespmem:$0x4200] =	vst v63  }
0x34: {  	_ =	swait.ge [sflag:s3], $0x4000  }
0x35: {  	s15 =	sadd.s32 $0xFFFFFFFF, s15;
	[sflag:s3] =	ssyncset.done $0x0  }
.LBB2_1:
0x36: {  	p0 =	sne.s32 s15, $0x1;
	s15 =	sadd.s32 $0xFFFFFFFF, s15;
	[sflag:s3] =	ssyncadd.s32 $0xFFFFC000  }
0x37: {  	[tilespmem:s2], [sflag:$0x2] =	stream.linear.gather [hbm4b:s4+s2], $0x200, $0x38;
	[tilespmem:$0x4200] =	vst v63  }
0x38: {  	_ =	swait.ge [sflag:s3], $0x200  }
0x39: {  	[sflag:s3] =	ssyncset.done $0x0  }
0x3a: {  	[sflag:s3] =	ssyncadd.s32 $0xFFFFFE00  }
0x3b: {  	[tilespmem:s6], [sflag:$0x1] =	stream.indirect.gather [hbm4b:s5+s6], $0x20, s2, s6, $0xb8;
	[tilespmem:$0x4200] =	vst v63  }
0x3c: {  	_ =	swait.ge [sflag:s7], $0x4000  }
0x3d: {  	[sflag:s7] =	ssyncset.done $0x0  }
0x3e: {  	[sflag:s7] =	ssyncadd.s32 $0xFFFFC000  }
0x3f: {  	[hbm4b:s8+s2] =	stream.linear.scatter [tilespmem:s6], [sflag:$0x2], $0x4000, $0x38;
	[tilespmem:$0x4200] =	vst v63  }
0x40: {  	_ =	swait.ge [sflag:s3], $0x4000  }
0x41: {  	[sflag:s3] =	ssyncset.done $0x0  }
0x42: {  	[sflag:s3] =	ssyncadd.s32 $0xFFFFC000  }
0x43: {  	[tilespmem:s2], [sflag:$0x2] =	stream.linear.gather [hbm4b:s9+s2], $0x200, $0x38;
	[tilespmem:$0x4200] =	vst v63  }
0x44: {  	_ =	swait.ge [sflag:s3], $0x200  }
0x45: {  	[sflag:s3] =	ssyncset.done $0x0  }
0x46: {  	[sflag:s3] =	ssyncadd.s32 $0xFFFFFE00  }
0x47: {  	[tilespmem:s6], [sflag:$0x1] =	stream.indirect.gather [hbm4b:s5+s6], $0x20, s2, s6, $0xb8;
	[tilespmem:$0x4200] =	vst v63  }
0x48: {  	_ =	swait.ge [sflag:s7], $0x4000  }
0x49: {  	[sflag:s7] =	ssyncset.done $0x0  }
0x4a: {  	[sflag:s7] =	ssyncadd.s32 $0xFFFFC000  }
0x4b: {  	[hbm4b:s10+s2] =	stream.linear.scatter [tilespmem:s6], [sflag:$0x2], $0x4000, $0x38;
	[tilespmem:$0x4200] =	vst v63  }
0x4c: {  	_ =	swait.ge [sflag:s3], $0x4000  }
0x4d: {  	[sflag:s3] =	ssyncset.done $0x0  }
0x4e: {  	[sflag:s3] =	ssyncadd.s32 $0xFFFFC000  }
0x4f: {  	[tilespmem:s2], [sflag:$0x2] =	stream.linear.gather [hbm4b:s11+s2], $0x200, $0x38;
	[tilespmem:$0x4200] =	vst v63  }
0x50: {  	_ =	swait.ge [sflag:s3], $0x200  }
0x51: {  	[sflag:s3] =	ssyncset.done $0x0  }
0x52: {  	[sflag:s3] =	ssyncadd.s32 $0xFFFFFE00  }
0x53: {  	[tilespmem:s6], [sflag:$0x1] =	stream.indirect.gather [hbm4b:s5+s6], $0x20, s2, s6, $0xb8;
	[tilespmem:$0x4200] =	vst v63  }
0x54: {  	_ =	swait.ge [sflag:s7], $0x4000  }
0x55: {  	[sflag:s7] =	ssyncset.done $0x0  }
0x56: {  	[sflag:s7] =	ssyncadd.s32 $0xFFFFC000  }
0x57: {  	[hbm4b:s12+s2] =	stream.linear.scatter [tilespmem:s6], [sflag:$0x2], $0x4000, $0x38;
	[tilespmem:$0x4200] =	vst v63  }
0x58: {  	_ =	swait.ge [sflag:s3], $0x4000  }
0x59: {  	[sflag:s3] =	ssyncset.done $0x0  }
0x5a: {  	[sflag:s3] =	ssyncadd.s32 $0xFFFFC000  }
0x5b: {  	[tilespmem:s2], [sflag:$0x2] =	stream.linear.gather [hbm4b:s13+s2], $0x200, $0x38;
	[tilespmem:$0x4200] =	vst v63  }
0x5c: {  	_ =	swait.ge [sflag:s3], $0x200  }
0x5d: {  	[sflag:s3] =	ssyncset.done $0x0  }
0x5e: {  	[sflag:s3] =	ssyncadd.s32 $0xFFFFFE00  }
0x5f: {  	[tilespmem:s6], [sflag:$0x1] =	stream.indirect.gather [hbm4b:s5+s6], $0x20, s2, s6, $0xb8;
	[tilespmem:$0x4200] =	vst v63  }
0x60: {  	_ =	swait.ge [sflag:s7], $0x4000  }
.Ltmp1:
0x61: {  	[sflag:s7] =	ssyncset.done $0x0;
	(pc) =	sbr.rel @p0 .LBB2_1-.Ltmp1, $4  }
0x62: {  	[sflag:s7] =	ssyncadd.s32 $0xFFFFC000  }
0x63: {  	[hbm4b:s14+s2] =	stream.linear.scatter [tilespmem:s6], [sflag:$0x2], $0x4000, $0x38;
	[tilespmem:$0x4200] =	vst v63  }
0x64: {  	_ =	swait.ge [sflag:s3], $0x4000  }
0x65: {  	[sflag:s3] =	ssyncset.done $0x0  }
.LBB2_2:
0x66: {  	[sflag:s3] =	ssyncadd.s32 $0xFFFFC000  }
0x67: {  	_ =	sfence.sel $0x180000  }
0x68: {  	[bflag:$0x0] =	sbarrier.arrive $0xFFFF  }
0x69: {  	p0 =	sne.s32 s0, $0x0;
	_ =	strace $0x90000047  }
0x6a: {  	s0 =	sadd.s32 @!p0 $0x100000, s1;
	[bflag:$0x2] =	sbarrier.arrive $0xFFFF  }
0x6b: {  	[sflag:s0] =	ssyncadd.tile.s32 @!p0 $0x1;
	_ =	shalt  }
.Lfunc_end2:
_tile_overlayer_lowered:
.L_overlay_start_2:
0x6c: {  	(tag) =	ssettag $0x2  }
0x6d: {  	s0 =	rddreg [dreg:$0x0];
	s2 =	stileid.u32  }
0x6e: {  	s1 =	rddreg [dreg:$0x1];
	p0 =	sne.s32 s2, $0x0  }
0x6f: {  	s3 =	rddreg [dreg:$0x2];
	[bflag:$0x3] =	sbarrier.arrive $0xFFFF;
	s2 =	simm.s32 @!p0 $0x1C02  }
0x70: {  	[timem:s3], [sflag:s2] =	dma.local @!p0 [hbm:s0], s1  }
0x71: {  	s0 =	simm.s32 @!p0 $0x2  }
0x72: {  	_ =	swait.ge @!p0 [sflag:s0], s1  }
0x73: {  	s1 =	ssub.s32 @!p0 $0x0, s1;
	[sflag:s0] =	ssyncset.done @!p0 $0x0  }
0x74: {  	[sflag:s0] =	ssyncadd.s32 @!p0 s1  }
0x75: {  	[bflag:$0x3] =	sbarrier.arrive $0xFFFF  }
0x76: {  	_ =	shalt  }

</sc_bundles>
